<compile_context>
chip_gen: v7x
topology: tpu7x:2x2x1
jax: 0.10.2.dev20260603
libtpu: 0.0.44.dev20260713+nightly
codegen_flags: <defaults>
</compile_context>

<pallas_src>
import functools

import jax
import jax.numpy as jnp
from jax import lax
from jax.experimental import pallas as pl
from jax.experimental.pallas import tpu as pltpu
from jax.experimental.pallas import tpu_sc as plsc

NBATCH = 4096
NP = 50
D = 256
NPAIR = NP // 2
NC, NS = 2, 16
NW = NC * NS
ROWS_PER_W = NBATCH // NW
GRP = 4
N_GRP = ROWS_PER_W // GRP
NBUF = 3
DEPTH = 2
REP = 128

_mesh = plsc.VectorSubcoreMesh(core_axis_name="c", subcore_axis_name="s")


def _prep_tc_body(lab_ref, pe_ref, pidx_ref, pt_ref):
    lab = lab_ref[...].astype(jnp.float32)
    j = lax.broadcasted_iota(jnp.int32, (NP, NPAIR), 0)
    jj = lax.broadcasted_iota(jnp.int32, (NP, NPAIR), 1)
    m = jnp.where(j == 2 * jj, 2.0, 0.0) + jnp.where(j == 2 * jj + 1, 1.0, 0.0)
    base = jnp.dot(lab, m.astype(jnp.float32),
                   preferred_element_type=jnp.float32).astype(jnp.int32)
    r = lax.broadcasted_iota(jnp.int32, (NBATCH, NPAIR), 0)
    c = lax.broadcasted_iota(jnp.int32, (NBATCH, NPAIR), 1)
    salt = jnp.bitwise_and(r * NPAIR + c, REP - 1)
    pidx_ref[...] = base + 4 * salt

    e = pe_ref[...]
    p = lax.broadcasted_iota(jnp.int32, (4 * REP, D), 0)
    lo = jnp.where(jnp.bitwise_and(p, 2) == 0, e[0:1, :], e[1:2, :])
    hi = jnp.where(jnp.bitwise_and(p, 1) == 0, e[0:1, :], e[1:2, :])
    pt_ref[...] = lax.bitcast_convert_type(
        lo | (hi << jnp.uint32(16)), jnp.int32)


_prep_tc = pl.pallas_call(
    _prep_tc_body,
    out_shape=(
        jax.ShapeDtypeStruct((NBATCH, NPAIR), jnp.int32),
        jax.ShapeDtypeStruct((4 * REP, D), jnp.int32),
    ),
)


@functools.partial(
    pl.kernel,
    mesh=_mesh,
    out_type=jax.ShapeDtypeStruct((NBATCH, NP, D), jnp.float16),
    scratch_types=[
        pltpu.VMEM((ROWS_PER_W, NPAIR), jnp.int32),
        pltpu.VMEM((NBUF, GRP, NPAIR, D), jnp.int32),
        pltpu.SemaphoreType.DMA((NBUF,)),
    ],
)
def _embed_lookup(ptable_hbm, pidx_hbm, out_hbm, pidx_v, rows_v, sem_g):
    wid = lax.axis_index("s") * NC + lax.axis_index("c")
    row0 = wid * ROWS_PER_W
    out_i32 = out_hbm.bitcast(jnp.int32)

    pltpu.sync_copy(pidx_hbm.at[pl.ds(row0, ROWS_PER_W)], pidx_v)

    def gather_descs(g):
        b = lax.rem(g, NBUF)
        return [
            pltpu.make_async_copy(
                ptable_hbm.at[pidx_v.at[g * GRP + k]],
                rows_v.at[b, k],
                sem_g.at[b],
            )
            for k in range(GRP)
        ]

    for g in range(DEPTH):
        for dsc in gather_descs(g):
            dsc.start()

    def body(g, carry):
        b = lax.rem(g, NBUF)
        for dsc in gather_descs(g):
            dsc.wait()
        @pl.when(g + DEPTH < N_GRP)
        def _():
            for dsc in gather_descs(g + DEPTH):
                dsc.start()
        pltpu.sync_copy(rows_v.at[b], out_i32.at[pl.ds(row0 + g * GRP, GRP)])
        return carry

    lax.fori_loop(0, N_GRP, body, 0)


def kernel(points, labels, point_embed):
    del points
    pe_bits = jax.lax.bitcast_convert_type(
        point_embed, jnp.uint16).astype(jnp.uint32)
    pidx, ptable_rep = _prep_tc(labels.astype(jnp.int32), pe_bits)
    return _embed_lookup(ptable_rep, pidx)

# --- scband reference (transcript-rebuilt; emitter-appended) ---
"""Pipeline reference for scband-mock-prompt-encoder-69801808494877 (READ-ONLY COPY).

The authoritative reference and input builder live on the scoring server;
editing this copy changes nothing except your own understanding.
"""

import jax, jax.numpy as jnp
import numpy as np


def setup_inputs(seed: int = 0) -> dict:
    key = jax.random.key(seed)
    k1, k2, k3 = jax.random.split(key, 3)
    points = jax.random.normal(k1, (4096, 50, 2), dtype=jnp.float32)
    labels = jax.random.randint(k2, (4096, 50), 0, 2, dtype=jnp.int64)
    # nn.Embedding(2, 256) weight, cast to float16 as in the torch module
    point_embed = (jax.random.normal(k3, (2, 256), dtype=jnp.float32)).astype(jnp.float16)
    return {"points": points, "labels": labels, "point_embed": point_embed}


def reference(points, labels, point_embed):
    # forward: self.point_embed(labels); points is accepted but unused
    out = jnp.take(point_embed, labels, axis=0)
    return out

if __name__ == "__main__":
    import jax
    _d = setup_inputs()
    print(jax.jit(kernel)(*tuple(_d.values())))

</pallas_src>

<mosaic_0001>
#map = affine_map<(d0, d1) -> (0, 0)>
#map1 = affine_map<(d0, d1) -> (0, 0, 0)>
module attributes {stable_mosaic.version = 14 : i64} {
  func.func @_embed_lookup(%arg0: i32, %arg1: i32, %arg2: memref<512x256xi32, #tpu.memory_space<hbm>>, %arg3: memref<4096x25xi32, #tpu.memory_space<hbm>>, %arg4: memref<4096x50x256xf16, #tpu.memory_space<hbm>>, %arg5: memref<128x25xi32, #tpu.memory_space<vmem>>, %arg6: memref<3x4x25x256xi32, #tpu.memory_space<vmem>>, %arg7: memref<3x!tpu.dma_semaphore, #tpu.memory_space<semaphore_mem>>) attributes {dimension_semantics = [#tpu.dimension_semantics<core_parallel>, #tpu.dimension_semantics<subcore_parallel>], iteration_bounds = array<i64: 2, 16>, scalar_prefetch = 0 : i64, scratch_operands = 3 : i64, tpu.core_type = #tpu.core_type<sc_vector_subcore>, window_params = [{transform_indices = #map}, {transform_indices = #map}, {transform_indices = #map1}]} {
    %mul3A = arith.constant 2 : i32
    %mul3A_0 = arith.muli %arg1, %mul3A : i32
    %add3A = arith.addi %mul3A_0, %arg0 : i32
    %mul3A_1 = arith.constant 128 : i32
    %mul3A_2 = arith.muli %add3A, %mul3A_1 : i32
    "tpu.region"() ({
      %run_scoped3A = tpu.sem_alloc : memref<!tpu.dma_semaphore, #tpu.memory_space<semaphore_mem>>
      %dma_start3A_124 = arith.constant 0 : i32
      %dma_start3A_125 = tpu.memref_slice %arg3[%mul3A_2, %dma_start3A_124] : memref<4096x25xi32, #tpu.memory_space<hbm>> -> memref<128x25xi32, #tpu.memory_space<hbm>>
      %dma_start3A_126 = arith.constant 0 : i32
      %dma_start3A_127 = tpu.memref_slice %arg3[%mul3A_2, %dma_start3A_126] : memref<4096x25xi32, #tpu.memory_space<hbm>> -> memref<128x25xi32, #tpu.memory_space<hbm>>
      tpu.enqueue_dma source(%dma_start3A_127 : memref<128x25xi32, #tpu.memory_space<hbm>>) target(%arg5 : memref<128x25xi32, #tpu.memory_space<vmem>>) target_semaphore(%run_scoped3A : memref<!tpu.dma_semaphore, #tpu.memory_space<semaphore_mem>>)
      %dma_wait3A = arith.constant 0 : i32
      %dma_wait3A_128 = tpu.memref_slice %arg3[%mul3A_2, %dma_wait3A] : memref<4096x25xi32, #tpu.memory_space<hbm>> -> memref<128x25xi32, #tpu.memory_space<hbm>>
      %dma_wait3A_129 = arith.constant 0 : i32
      %dma_wait3A_130 = tpu.memref_slice %arg3[%mul3A_2, %dma_wait3A_129] : memref<4096x25xi32, #tpu.memory_space<hbm>> -> memref<128x25xi32, #tpu.memory_space<hbm>>
      tpu.wait_dma2 semaphore(%run_scoped3A : memref<!tpu.dma_semaphore, #tpu.memory_space<semaphore_mem>>) src(%dma_wait3A_130 : memref<128x25xi32, #tpu.memory_space<hbm>>) dst(%arg5 : memref<128x25xi32, #tpu.memory_space<vmem>>)
      tpu.yield
    }) : () -> ()
    %rem3A = arith.constant 0 : i32
    %rem3A_3 = arith.constant 3 : i32
    %rem3A_4 = arith.remsi %rem3A, %rem3A_3 : i32
    %dma_start3A = arith.constant 0 : i32
    %dma_start3A_5 = arith.constant 0 : i32
    %dma_start3A_6 = arith.constant 0 : i32
    %dma_start3A_7 = arith.constant 0 : i32
    %dma_start3A_8 = tpu.memref_slice %arg6[%rem3A_4, %dma_start3A_5, %dma_start3A_6, %dma_start3A_7] : memref<3x4x25x256xi32, #tpu.memory_space<vmem>> -> memref<1x1x25x256xi32, #tpu.memory_space<vmem>>
    %dma_start3A_9 = tpu.memref_squeeze %dma_start3A_8 : memref<1x1x25x256xi32, #tpu.memory_space<vmem>> -> memref<25x256xi32, #tpu.memory_space<vmem>>
    %dma_start3A_10 = arith.constant 0 : i32
    %dma_start3A_11 = tpu.memref_slice %arg5[%dma_start3A, %dma_start3A_10] : memref<128x25xi32, #tpu.memory_space<vmem>> -> memref<1x25xi32, #tpu.memory_space<vmem>>
    %dma_start3A_12 = tpu.memref_squeeze %dma_start3A_11 : memref<1x25xi32, #tpu.memory_space<vmem>> -> memref<25xi32, #tpu.memory_space<vmem>>
    %dma_start3A_13 = arith.constant 0 : i32
    %dma_start3A_14 = arith.constant 0 : i32
    %dma_start3A_15 = tpu.memref_slice %arg2[%dma_start3A_13, %dma_start3A_14] : memref<512x256xi32, #tpu.memory_space<hbm>> -> memref<512x256xi32, #tpu.memory_space<hbm>>
    %dma_start3A_16 = tpu.memref_slice %arg7[%rem3A_4] : memref<3x!tpu.dma_semaphore, #tpu.memory_space<semaphore_mem>> -> memref<1x!tpu.dma_semaphore, #tpu.memory_space<semaphore_mem>>
    %dma_start3A_17 = tpu.memref_squeeze %dma_start3A_16 : memref<1x!tpu.dma_semaphore, #tpu.memory_space<semaphore_mem>> -> memref<!tpu.dma_semaphore, #tpu.memory_space<semaphore_mem>>
    tpu.enqueue_indirect_dma source(%dma_start3A_15 : memref<512x256xi32, #tpu.memory_space<hbm>>) target(%dma_start3A_9 : memref<25x256xi32, #tpu.memory_space<vmem>>) offsets(%dma_start3A_12 : memref<25xi32, #tpu.memory_space<vmem>>) semaphore(%dma_start3A_17 : memref<!tpu.dma_semaphore, #tpu.memory_space<semaphore_mem>>)
    %dma_start3A_18 = arith.constant 1 : i32
    %dma_start3A_19 = arith.constant 1 : i32
    %dma_start3A_20 = arith.constant 0 : i32
    %dma_start3A_21 = arith.constant 0 : i32
    %dma_start3A_22 = tpu.memref_slice %arg6[%rem3A_4, %dma_start3A_19, %dma_start3A_20, %dma_start3A_21] : memref<3x4x25x256xi32, #tpu.memory_space<vmem>> -> memref<1x1x25x256xi32, #tpu.memory_space<vmem>>
    %dma_start3A_23 = tpu.memref_squeeze %dma_start3A_22 : memref<1x1x25x256xi32, #tpu.memory_space<vmem>> -> memref<25x256xi32, #tpu.memory_space<vmem>>
    %dma_start3A_24 = arith.constant 0 : i32
    %dma_start3A_25 = tpu.memref_slice %arg5[%dma_start3A_18, %dma_start3A_24] : memref<128x25xi32, #tpu.memory_space<vmem>> -> memref<1x25xi32, #tpu.memory_space<vmem>>
    %dma_start3A_26 = tpu.memref_squeeze %dma_start3A_25 : memref<1x25xi32, #tpu.memory_space<vmem>> -> memref<25xi32, #tpu.memory_space<vmem>>
    %dma_start3A_27 = arith.constant 0 : i32
    %dma_start3A_28 = arith.constant 0 : i32
    %dma_start3A_29 = tpu.memref_slice %arg2[%dma_start3A_27, %dma_start3A_28] : memref<512x256xi32, #tpu.memory_space<hbm>> -> memref<512x256xi32, #tpu.memory_space<hbm>>
    %dma_start3A_30 = tpu.memref_slice %arg7[%rem3A_4] : memref<3x!tpu.dma_semaphore, #tpu.memory_space<semaphore_mem>> -> memref<1x!tpu.dma_semaphore, #tpu.memory_space<semaphore_mem>>
    %dma_start3A_31 = tpu.memref_squeeze %dma_start3A_30 : memref<1x!tpu.dma_semaphore, #tpu.memory_space<semaphore_mem>> -> memref<!tpu.dma_semaphore, #tpu.memory_space<semaphore_mem>>
    tpu.enqueue_indirect_dma source(%dma_start3A_29 : memref<512x256xi32, #tpu.memory_space<hbm>>) target(%dma_start3A_23 : memref<25x256xi32, #tpu.memory_space<vmem>>) offsets(%dma_start3A_26 : memref<25xi32, #tpu.memory_space<vmem>>) semaphore(%dma_start3A_31 : memref<!tpu.dma_semaphore, #tpu.memory_space<semaphore_mem>>)
    %dma_start3A_32 = arith.constant 2 : i32
    %dma_start3A_33 = arith.constant 2 : i32
    %dma_start3A_34 = arith.constant 0 : i32
    %dma_start3A_35 = arith.constant 0 : i32
    %dma_start3A_36 = tpu.memref_slice %arg6[%rem3A_4, %dma_start3A_33, %dma_start3A_34, %dma_start3A_35] : memref<3x4x25x256xi32, #tpu.memory_space<vmem>> -> memref<1x1x25x256xi32, #tpu.memory_space<vmem>>
    %dma_start3A_37 = tpu.memref_squeeze %dma_start3A_36 : memref<1x1x25x256xi32, #tpu.memory_space<vmem>> -> memref<25x256xi32, #tpu.memory_space<vmem>>
    %dma_start3A_38 = arith.constant 0 : i32
    %dma_start3A_39 = tpu.memref_slice %arg5[%dma_start3A_32, %dma_start3A_38] : memref<128x25xi32, #tpu.memory_space<vmem>> -> memref<1x25xi32, #tpu.memory_space<vmem>>
    %dma_start3A_40 = tpu.memref_squeeze %dma_start3A_39 : memref<1x25xi32, #tpu.memory_space<vmem>> -> memref<25xi32, #tpu.memory_space<vmem>>
    %dma_start3A_41 = arith.constant 0 : i32
    %dma_start3A_42 = arith.constant 0 : i32
    %dma_start3A_43 = tpu.memref_slice %arg2[%dma_start3A_41, %dma_start3A_42] : memref<512x256xi32, #tpu.memory_space<hbm>> -> memref<512x256xi32, #tpu.memory_space<hbm>>
    %dma_start3A_44 = tpu.memref_slice %arg7[%rem3A_4] : memref<3x!tpu.dma_semaphore, #tpu.memory_space<semaphore_mem>> -> memref<1x!tpu.dma_semaphore, #tpu.memory_space<semaphore_mem>>
    %dma_start3A_45 = tpu.memref_squeeze %dma_start3A_44 : memref<1x!tpu.dma_semaphore, #tpu.memory_space<semaphore_mem>> -> memref<!tpu.dma_semaphore, #tpu.memory_space<semaphore_mem>>
    tpu.enqueue_indirect_dma source(%dma_start3A_43 : memref<512x256xi32, #tpu.memory_space<hbm>>) target(%dma_start3A_37 : memref<25x256xi32, #tpu.memory_space<vmem>>) offsets(%dma_start3A_40 : memref<25xi32, #tpu.memory_space<vmem>>) semaphore(%dma_start3A_45 : memref<!tpu.dma_semaphore, #tpu.memory_space<semaphore_mem>>)
    %dma_start3A_46 = arith.constant 3 : i32
    %dma_start3A_47 = arith.constant 3 : i32
    %dma_start3A_48 = arith.constant 0 : i32
    %dma_start3A_49 = arith.constant 0 : i32
    %dma_start3A_50 = tpu.memref_slice %arg6[%rem3A_4, %dma_start3A_47, %dma_start3A_48, %dma_start3A_49] : memref<3x4x25x256xi32, #tpu.memory_space<vmem>> -> memref<1x1x25x256xi32, #tpu.memory_space<vmem>>
    %dma_start3A_51 = tpu.memref_squeeze %dma_start3A_50 : memref<1x1x25x256xi32, #tpu.memory_space<vmem>> -> memref<25x256xi32, #tpu.memory_space<vmem>>
    %dma_start3A_52 = arith.constant 0 : i32
    %dma_start3A_53 = tpu.memref_slice %arg5[%dma_start3A_46, %dma_start3A_52] : memref<128x25xi32, #tpu.memory_space<vmem>> -> memref<1x25xi32, #tpu.memory_space<vmem>>
    %dma_start3A_54 = tpu.memref_squeeze %dma_start3A_53 : memref<1x25xi32, #tpu.memory_space<vmem>> -> memref<25xi32, #tpu.memory_space<vmem>>
    %dma_start3A_55 = arith.constant 0 : i32
    %dma_start3A_56 = arith.constant 0 : i32
    %dma_start3A_57 = tpu.memref_slice %arg2[%dma_start3A_55, %dma_start3A_56] : memref<512x256xi32, #tpu.memory_space<hbm>> -> memref<512x256xi32, #tpu.memory_space<hbm>>
    %dma_start3A_58 = tpu.memref_slice %arg7[%rem3A_4] : memref<3x!tpu.dma_semaphore, #tpu.memory_space<semaphore_mem>> -> memref<1x!tpu.dma_semaphore, #tpu.memory_space<semaphore_mem>>
    %dma_start3A_59 = tpu.memref_squeeze %dma_start3A_58 : memref<1x!tpu.dma_semaphore, #tpu.memory_space<semaphore_mem>> -> memref<!tpu.dma_semaphore, #tpu.memory_space<semaphore_mem>>
    tpu.enqueue_indirect_dma source(%dma_start3A_57 : memref<512x256xi32, #tpu.memory_space<hbm>>) target(%dma_start3A_51 : memref<25x256xi32, #tpu.memory_space<vmem>>) offsets(%dma_start3A_54 : memref<25xi32, #tpu.memory_space<vmem>>) semaphore(%dma_start3A_59 : memref<!tpu.dma_semaphore, #tpu.memory_space<semaphore_mem>>)
    %rem3A_60 = arith.constant 1 : i32
    %rem3A_61 = arith.constant 3 : i32
    %rem3A_62 = arith.remsi %rem3A_60, %rem3A_61 : i32
    %dma_start3A_63 = arith.constant 4 : i32
    %dma_start3A_64 = arith.constant 0 : i32
    %dma_start3A_65 = arith.constant 0 : i32
    %dma_start3A_66 = arith.constant 0 : i32
    %dma_start3A_67 = tpu.memref_slice %arg6[%rem3A_62, %dma_start3A_64, %dma_start3A_65, %dma_start3A_66] : memref<3x4x25x256xi32, #tpu.memory_space<vmem>> -> memref<1x1x25x256xi32, #tpu.memory_space<vmem>>
    %dma_start3A_68 = tpu.memref_squeeze %dma_start3A_67 : memref<1x1x25x256xi32, #tpu.memory_space<vmem>> -> memref<25x256xi32, #tpu.memory_space<vmem>>
    %dma_start3A_69 = arith.constant 0 : i32
    %dma_start3A_70 = tpu.memref_slice %arg5[%dma_start3A_63, %dma_start3A_69] : memref<128x25xi32, #tpu.memory_space<vmem>> -> memref<1x25xi32, #tpu.memory_space<vmem>>
    %dma_start3A_71 = tpu.memref_squeeze %dma_start3A_70 : memref<1x25xi32, #tpu.memory_space<vmem>> -> memref<25xi32, #tpu.memory_space<vmem>>
    %dma_start3A_72 = arith.constant 0 : i32
    %dma_start3A_73 = arith.constant 0 : i32
    %dma_start3A_74 = tpu.memref_slice %arg2[%dma_start3A_72, %dma_start3A_73] : memref<512x256xi32, #tpu.memory_space<hbm>> -> memref<512x256xi32, #tpu.memory_space<hbm>>
    %dma_start3A_75 = tpu.memref_slice %arg7[%rem3A_62] : memref<3x!tpu.dma_semaphore, #tpu.memory_space<semaphore_mem>> -> memref<1x!tpu.dma_semaphore, #tpu.memory_space<semaphore_mem>>
    %dma_start3A_76 = tpu.memref_squeeze %dma_start3A_75 : memref<1x!tpu.dma_semaphore, #tpu.memory_space<semaphore_mem>> -> memref<!tpu.dma_semaphore, #tpu.memory_space<semaphore_mem>>
    tpu.enqueue_indirect_dma source(%dma_start3A_74 : memref<512x256xi32, #tpu.memory_space<hbm>>) target(%dma_start3A_68 : memref<25x256xi32, #tpu.memory_space<vmem>>) offsets(%dma_start3A_71 : memref<25xi32, #tpu.memory_space<vmem>>) semaphore(%dma_start3A_76 : memref<!tpu.dma_semaphore, #tpu.memory_space<semaphore_mem>>)
    %dma_start3A_77 = arith.constant 5 : i32
    %dma_start3A_78 = arith.constant 1 : i32
    %dma_start3A_79 = arith.constant 0 : i32
    %dma_start3A_80 = arith.constant 0 : i32
    %dma_start3A_81 = tpu.memref_slice %arg6[%rem3A_62, %dma_start3A_78, %dma_start3A_79, %dma_start3A_80] : memref<3x4x25x256xi32, #tpu.memory_space<vmem>> -> memref<1x1x25x256xi32, #tpu.memory_space<vmem>>
    %dma_start3A_82 = tpu.memref_squeeze %dma_start3A_81 : memref<1x1x25x256xi32, #tpu.memory_space<vmem>> -> memref<25x256xi32, #tpu.memory_space<vmem>>
    %dma_start3A_83 = arith.constant 0 : i32
    %dma_start3A_84 = tpu.memref_slice %arg5[%dma_start3A_77, %dma_start3A_83] : memref<128x25xi32, #tpu.memory_space<vmem>> -> memref<1x25xi32, #tpu.memory_space<vmem>>
    %dma_start3A_85 = tpu.memref_squeeze %dma_start3A_84 : memref<1x25xi32, #tpu.memory_space<vmem>> -> memref<25xi32, #tpu.memory_space<vmem>>
    %dma_start3A_86 = arith.constant 0 : i32
    %dma_start3A_87 = arith.constant 0 : i32
    %dma_start3A_88 = tpu.memref_slice %arg2[%dma_start3A_86, %dma_start3A_87] : memref<512x256xi32, #tpu.memory_space<hbm>> -> memref<512x256xi32, #tpu.memory_space<hbm>>
    %dma_start3A_89 = tpu.memref_slice %arg7[%rem3A_62] : memref<3x!tpu.dma_semaphore, #tpu.memory_space<semaphore_mem>> -> memref<1x!tpu.dma_semaphore, #tpu.memory_space<semaphore_mem>>
    %dma_start3A_90 = tpu.memref_squeeze %dma_start3A_89 : memref<1x!tpu.dma_semaphore, #tpu.memory_space<semaphore_mem>> -> memref<!tpu.dma_semaphore, #tpu.memory_space<semaphore_mem>>
    tpu.enqueue_indirect_dma source(%dma_start3A_88 : memref<512x256xi32, #tpu.memory_space<hbm>>) target(%dma_start3A_82 : memref<25x256xi32, #tpu.memory_space<vmem>>) offsets(%dma_start3A_85 : memref<25xi32, #tpu.memory_space<vmem>>) semaphore(%dma_start3A_90 : memref<!tpu.dma_semaphore, #tpu.memory_space<semaphore_mem>>)
    %dma_start3A_91 = arith.constant 6 : i32
    %dma_start3A_92 = arith.constant 2 : i32
    %dma_start3A_93 = arith.constant 0 : i32
    %dma_start3A_94 = arith.constant 0 : i32
    %dma_start3A_95 = tpu.memref_slice %arg6[%rem3A_62, %dma_start3A_92, %dma_start3A_93, %dma_start3A_94] : memref<3x4x25x256xi32, #tpu.memory_space<vmem>> -> memref<1x1x25x256xi32, #tpu.memory_space<vmem>>
    %dma_start3A_96 = tpu.memref_squeeze %dma_start3A_95 : memref<1x1x25x256xi32, #tpu.memory_space<vmem>> -> memref<25x256xi32, #tpu.memory_space<vmem>>
    %dma_start3A_97 = arith.constant 0 : i32
    %dma_start3A_98 = tpu.memref_slice %arg5[%dma_start3A_91, %dma_start3A_97] : memref<128x25xi32, #tpu.memory_space<vmem>> -> memref<1x25xi32, #tpu.memory_space<vmem>>
    %dma_start3A_99 = tpu.memref_squeeze %dma_start3A_98 : memref<1x25xi32, #tpu.memory_space<vmem>> -> memref<25xi32, #tpu.memory_space<vmem>>
    %dma_start3A_100 = arith.constant 0 : i32
    %dma_start3A_101 = arith.constant 0 : i32
    %dma_start3A_102 = tpu.memref_slice %arg2[%dma_start3A_100, %dma_start3A_101] : memref<512x256xi32, #tpu.memory_space<hbm>> -> memref<512x256xi32, #tpu.memory_space<hbm>>
    %dma_start3A_103 = tpu.memref_slice %arg7[%rem3A_62] : memref<3x!tpu.dma_semaphore, #tpu.memory_space<semaphore_mem>> -> memref<1x!tpu.dma_semaphore, #tpu.memory_space<semaphore_mem>>
    %dma_start3A_104 = tpu.memref_squeeze %dma_start3A_103 : memref<1x!tpu.dma_semaphore, #tpu.memory_space<semaphore_mem>> -> memref<!tpu.dma_semaphore, #tpu.memory_space<semaphore_mem>>
    tpu.enqueue_indirect_dma source(%dma_start3A_102 : memref<512x256xi32, #tpu.memory_space<hbm>>) target(%dma_start3A_96 : memref<25x256xi32, #tpu.memory_space<vmem>>) offsets(%dma_start3A_99 : memref<25xi32, #tpu.memory_space<vmem>>) semaphore(%dma_start3A_104 : memref<!tpu.dma_semaphore, #tpu.memory_space<semaphore_mem>>)
    %dma_start3A_105 = arith.constant 7 : i32
    %dma_start3A_106 = arith.constant 3 : i32
    %dma_start3A_107 = arith.constant 0 : i32
    %dma_start3A_108 = arith.constant 0 : i32
    %dma_start3A_109 = tpu.memref_slice %arg6[%rem3A_62, %dma_start3A_106, %dma_start3A_107, %dma_start3A_108] : memref<3x4x25x256xi32, #tpu.memory_space<vmem>> -> memref<1x1x25x256xi32, #tpu.memory_space<vmem>>
    %dma_start3A_110 = tpu.memref_squeeze %dma_start3A_109 : memref<1x1x25x256xi32, #tpu.memory_space<vmem>> -> memref<25x256xi32, #tpu.memory_space<vmem>>
    %dma_start3A_111 = arith.constant 0 : i32
    %dma_start3A_112 = tpu.memref_slice %arg5[%dma_start3A_105, %dma_start3A_111] : memref<128x25xi32, #tpu.memory_space<vmem>> -> memref<1x25xi32, #tpu.memory_space<vmem>>
    %dma_start3A_113 = tpu.memref_squeeze %dma_start3A_112 : memref<1x25xi32, #tpu.memory_space<vmem>> -> memref<25xi32, #tpu.memory_space<vmem>>
    %dma_start3A_114 = arith.constant 0 : i32
    %dma_start3A_115 = arith.constant 0 : i32
    %dma_start3A_116 = tpu.memref_slice %arg2[%dma_start3A_114, %dma_start3A_115] : memref<512x256xi32, #tpu.memory_space<hbm>> -> memref<512x256xi32, #tpu.memory_space<hbm>>
    %dma_start3A_117 = tpu.memref_slice %arg7[%rem3A_62] : memref<3x!tpu.dma_semaphore, #tpu.memory_space<semaphore_mem>> -> memref<1x!tpu.dma_semaphore, #tpu.memory_space<semaphore_mem>>
    %dma_start3A_118 = tpu.memref_squeeze %dma_start3A_117 : memref<1x!tpu.dma_semaphore, #tpu.memory_space<semaphore_mem>> -> memref<!tpu.dma_semaphore, #tpu.memory_space<semaphore_mem>>
    tpu.enqueue_indirect_dma source(%dma_start3A_116 : memref<512x256xi32, #tpu.memory_space<hbm>>) target(%dma_start3A_110 : memref<25x256xi32, #tpu.memory_space<vmem>>) offsets(%dma_start3A_113 : memref<25xi32, #tpu.memory_space<vmem>>) semaphore(%dma_start3A_118 : memref<!tpu.dma_semaphore, #tpu.memory_space<semaphore_mem>>)
    %scan3A = arith.constant 0 : i32
    %scan3A_119 = arith.constant 0 : i32
    %scan3A_120 = arith.constant 32 : i32
    %scan3A_121 = arith.addi %scan3A_119, %scan3A_120 : i32
    %scan3A_122 = arith.constant 1 : i32
    scf.for %scan3A_124 = %scan3A_119 to %scan3A_121 step %scan3A_122  : i32 {
      %rem3A_125 = arith.constant 3 : i32
      %rem3A_126 = arith.remsi %scan3A_124, %rem3A_125 : i32
      %rem3A_127 = arith.constant 3 : i32
      %rem3A_128 = arith.remsi %scan3A_124, %rem3A_127 : i32
      %mul3A_129 = arith.constant 4 : i32
      %mul3A_130 = arith.muli %scan3A_124, %mul3A_129 : i32
      %add3A_131 = arith.constant 0 : i32
      %add3A_132 = arith.addi %mul3A_130, %add3A_131 : i32
      %mul3A_133 = arith.constant 4 : i32
      %mul3A_134 = arith.muli %scan3A_124, %mul3A_133 : i32
      %add3A_135 = arith.constant 1 : i32
      %add3A_136 = arith.addi %mul3A_134, %add3A_135 : i32
      %mul3A_137 = arith.constant 4 : i32
      %mul3A_138 = arith.muli %scan3A_124, %mul3A_137 : i32
      %add3A_139 = arith.constant 2 : i32
      %add3A_140 = arith.addi %mul3A_138, %add3A_139 : i32
      %mul3A_141 = arith.constant 4 : i32
      %mul3A_142 = arith.muli %scan3A_124, %mul3A_141 : i32
      %add3A_143 = arith.constant 3 : i32
      %add3A_144 = arith.addi %mul3A_142, %add3A_143 : i32
      %dma_wait3A = arith.constant 0 : i32
      %dma_wait3A_145 = arith.constant 0 : i32
      %dma_wait3A_146 = arith.constant 0 : i32
      %dma_wait3A_147 = tpu.memref_slice %arg6[%rem3A_128, %dma_wait3A, %dma_wait3A_145, %dma_wait3A_146] : memref<3x4x25x256xi32, #tpu.memory_space<vmem>> -> memref<1x1x25x256xi32, #tpu.memory_space<vmem>>
      %dma_wait3A_148 = tpu.memref_squeeze %dma_wait3A_147 : memref<1x1x25x256xi32, #tpu.memory_space<vmem>> -> memref<25x256xi32, #tpu.memory_space<vmem>>
      %dma_wait3A_149 = arith.constant 0 : i32
      %dma_wait3A_150 = tpu.memref_slice %arg5[%add3A_132, %dma_wait3A_149] : memref<128x25xi32, #tpu.memory_space<vmem>> -> memref<1x25xi32, #tpu.memory_space<vmem>>
      %dma_wait3A_151 = tpu.memref_squeeze %dma_wait3A_150 : memref<1x25xi32, #tpu.memory_space<vmem>> -> memref<25xi32, #tpu.memory_space<vmem>>
      %dma_wait3A_152 = arith.constant 0 : i32
      %dma_wait3A_153 = arith.constant 0 : i32
      %dma_wait3A_154 = tpu.memref_slice %arg2[%dma_wait3A_152, %dma_wait3A_153] : memref<512x256xi32, #tpu.memory_space<hbm>> -> memref<512x256xi32, #tpu.memory_space<hbm>>
      %dma_wait3A_155 = tpu.memref_slice %arg7[%rem3A_128] : memref<3x!tpu.dma_semaphore, #tpu.memory_space<semaphore_mem>> -> memref<1x!tpu.dma_semaphore, #tpu.memory_space<semaphore_mem>>
      %dma_wait3A_156 = tpu.memref_squeeze %dma_wait3A_155 : memref<1x!tpu.dma_semaphore, #tpu.memory_space<semaphore_mem>> -> memref<!tpu.dma_semaphore, #tpu.memory_space<semaphore_mem>>
      tpu.wait_indirect_dma semaphore(%dma_wait3A_156 : memref<!tpu.dma_semaphore, #tpu.memory_space<semaphore_mem>>) src(%dma_wait3A_154 : memref<512x256xi32, #tpu.memory_space<hbm>>) dst(%dma_wait3A_148 : memref<25x256xi32, #tpu.memory_space<vmem>>)
      %dma_wait3A_157 = arith.constant 1 : i32
      %dma_wait3A_158 = arith.constant 0 : i32
      %dma_wait3A_159 = arith.constant 0 : i32
      %dma_wait3A_160 = tpu.memref_slice %arg6[%rem3A_128, %dma_wait3A_157, %dma_wait3A_158, %dma_wait3A_159] : memref<3x4x25x256xi32, #tpu.memory_space<vmem>> -> memref<1x1x25x256xi32, #tpu.memory_space<vmem>>
      %dma_wait3A_161 = tpu.memref_squeeze %dma_wait3A_160 : memref<1x1x25x256xi32, #tpu.memory_space<vmem>> -> memref<25x256xi32, #tpu.memory_space<vmem>>
      %dma_wait3A_162 = arith.constant 0 : i32
      %dma_wait3A_163 = tpu.memref_slice %arg5[%add3A_136, %dma_wait3A_162] : memref<128x25xi32, #tpu.memory_space<vmem>> -> memref<1x25xi32, #tpu.memory_space<vmem>>
      %dma_wait3A_164 = tpu.memref_squeeze %dma_wait3A_163 : memref<1x25xi32, #tpu.memory_space<vmem>> -> memref<25xi32, #tpu.memory_space<vmem>>
      %dma_wait3A_165 = arith.constant 0 : i32
      %dma_wait3A_166 = arith.constant 0 : i32
      %dma_wait3A_167 = tpu.memref_slice %arg2[%dma_wait3A_165, %dma_wait3A_166] : memref<512x256xi32, #tpu.memory_space<hbm>> -> memref<512x256xi32, #tpu.memory_space<hbm>>
      %dma_wait3A_168 = tpu.memref_slice %arg7[%rem3A_128] : memref<3x!tpu.dma_semaphore, #tpu.memory_space<semaphore_mem>> -> memref<1x!tpu.dma_semaphore, #tpu.memory_space<semaphore_mem>>
      %dma_wait3A_169 = tpu.memref_squeeze %dma_wait3A_168 : memref<1x!tpu.dma_semaphore, #tpu.memory_space<semaphore_mem>> -> memref<!tpu.dma_semaphore, #tpu.memory_space<semaphore_mem>>
      tpu.wait_indirect_dma semaphore(%dma_wait3A_169 : memref<!tpu.dma_semaphore, #tpu.memory_space<semaphore_mem>>) src(%dma_wait3A_167 : memref<512x256xi32, #tpu.memory_space<hbm>>) dst(%dma_wait3A_161 : memref<25x256xi32, #tpu.memory_space<vmem>>)
      %dma_wait3A_170 = arith.constant 2 : i32
      %dma_wait3A_171 = arith.constant 0 : i32
      %dma_wait3A_172 = arith.constant 0 : i32
      %dma_wait3A_173 = tpu.memref_slice %arg6[%rem3A_128, %dma_wait3A_170, %dma_wait3A_171, %dma_wait3A_172] : memref<3x4x25x256xi32, #tpu.memory_space<vmem>> -> memref<1x1x25x256xi32, #tpu.memory_space<vmem>>
      %dma_wait3A_174 = tpu.memref_squeeze %dma_wait3A_173 : memref<1x1x25x256xi32, #tpu.memory_space<vmem>> -> memref<25x256xi32, #tpu.memory_space<vmem>>
      %dma_wait3A_175 = arith.constant 0 : i32
      %dma_wait3A_176 = tpu.memref_slice %arg5[%add3A_140, %dma_wait3A_175] : memref<128x25xi32, #tpu.memory_space<vmem>> -> memref<1x25xi32, #tpu.memory_space<vmem>>
      %dma_wait3A_177 = tpu.memref_squeeze %dma_wait3A_176 : memref<1x25xi32, #tpu.memory_space<vmem>> -> memref<25xi32, #tpu.memory_space<vmem>>
      %dma_wait3A_178 = arith.constant 0 : i32
      %dma_wait3A_179 = arith.constant 0 : i32
      %dma_wait3A_180 = tpu.memref_slice %arg2[%dma_wait3A_178, %dma_wait3A_179] : memref<512x256xi32, #tpu.memory_space<hbm>> -> memref<512x256xi32, #tpu.memory_space<hbm>>
      %dma_wait3A_181 = tpu.memref_slice %arg7[%rem3A_128] : memref<3x!tpu.dma_semaphore, #tpu.memory_space<semaphore_mem>> -> memref<1x!tpu.dma_semaphore, #tpu.memory_space<semaphore_mem>>
      %dma_wait3A_182 = tpu.memref_squeeze %dma_wait3A_181 : memref<1x!tpu.dma_semaphore, #tpu.memory_space<semaphore_mem>> -> memref<!tpu.dma_semaphore, #tpu.memory_space<semaphore_mem>>
      tpu.wait_indirect_dma semaphore(%dma_wait3A_182 : memref<!tpu.dma_semaphore, #tpu.memory_space<semaphore_mem>>) src(%dma_wait3A_180 : memref<512x256xi32, #tpu.memory_space<hbm>>) dst(%dma_wait3A_174 : memref<25x256xi32, #tpu.memory_space<vmem>>)
      %dma_wait3A_183 = arith.constant 3 : i32
      %dma_wait3A_184 = arith.constant 0 : i32
      %dma_wait3A_185 = arith.constant 0 : i32
      %dma_wait3A_186 = tpu.memref_slice %arg6[%rem3A_128, %dma_wait3A_183, %dma_wait3A_184, %dma_wait3A_185] : memref<3x4x25x256xi32, #tpu.memory_space<vmem>> -> memref<1x1x25x256xi32, #tpu.memory_space<vmem>>
      %dma_wait3A_187 = tpu.memref_squeeze %dma_wait3A_186 : memref<1x1x25x256xi32, #tpu.memory_space<vmem>> -> memref<25x256xi32, #tpu.memory_space<vmem>>
      %dma_wait3A_188 = arith.constant 0 : i32
      %dma_wait3A_189 = tpu.memref_slice %arg5[%add3A_144, %dma_wait3A_188] : memref<128x25xi32, #tpu.memory_space<vmem>> -> memref<1x25xi32, #tpu.memory_space<vmem>>
      %dma_wait3A_190 = tpu.memref_squeeze %dma_wait3A_189 : memref<1x25xi32, #tpu.memory_space<vmem>> -> memref<25xi32, #tpu.memory_space<vmem>>
      %dma_wait3A_191 = arith.constant 0 : i32
      %dma_wait3A_192 = arith.constant 0 : i32
      %dma_wait3A_193 = tpu.memref_slice %arg2[%dma_wait3A_191, %dma_wait3A_192] : memref<512x256xi32, #tpu.memory_space<hbm>> -> memref<512x256xi32, #tpu.memory_space<hbm>>
      %dma_wait3A_194 = tpu.memref_slice %arg7[%rem3A_128] : memref<3x!tpu.dma_semaphore, #tpu.memory_space<semaphore_mem>> -> memref<1x!tpu.dma_semaphore, #tpu.memory_space<semaphore_mem>>
      %dma_wait3A_195 = tpu.memref_squeeze %dma_wait3A_194 : memref<1x!tpu.dma_semaphore, #tpu.memory_space<semaphore_mem>> -> memref<!tpu.dma_semaphore, #tpu.memory_space<semaphore_mem>>
      tpu.wait_indirect_dma semaphore(%dma_wait3A_195 : memref<!tpu.dma_semaphore, #tpu.memory_space<semaphore_mem>>) src(%dma_wait3A_193 : memref<512x256xi32, #tpu.memory_space<hbm>>) dst(%dma_wait3A_187 : memref<25x256xi32, #tpu.memory_space<vmem>>)
      %add3A_196 = arith.constant 2 : i32
      %add3A_197 = arith.addi %scan3A_124, %add3A_196 : i32
      %lt3A = arith.constant 32 : i32
      %lt3A_198 = arith.cmpi slt, %add3A_197, %lt3A : i32
      %convert_element_type3A = arith.extui %lt3A_198 : i1 to i32
      %cond3A = arith.constant 0 : i32
      %cond3A_199 = arith.cmpi ne, %convert_element_type3A, %cond3A : i32
      scf.if %cond3A_199 {
        %add3A_203 = arith.constant 2 : i32
        %add3A_204 = arith.addi %scan3A_124, %add3A_203 : i32
        %rem3A_205 = arith.constant 3 : i32
        %rem3A_206 = arith.remsi %add3A_204, %rem3A_205 : i32
        %mul3A_207 = arith.constant 4 : i32
        %mul3A_208 = arith.muli %add3A_204, %mul3A_207 : i32
        %add3A_209 = arith.constant 0 : i32
        %add3A_210 = arith.addi %mul3A_208, %add3A_209 : i32
        %mul3A_211 = arith.constant 4 : i32
        %mul3A_212 = arith.muli %add3A_204, %mul3A_211 : i32
        %add3A_213 = arith.constant 1 : i32
        %add3A_214 = arith.addi %mul3A_212, %add3A_213 : i32
        %mul3A_215 = arith.constant 4 : i32
        %mul3A_216 = arith.muli %add3A_204, %mul3A_215 : i32
        %add3A_217 = arith.constant 2 : i32
        %add3A_218 = arith.addi %mul3A_216, %add3A_217 : i32
        %mul3A_219 = arith.constant 4 : i32
        %mul3A_220 = arith.muli %add3A_204, %mul3A_219 : i32
        %add3A_221 = arith.constant 3 : i32
        %add3A_222 = arith.addi %mul3A_220, %add3A_221 : i32
        %dma_start3A_223 = arith.constant 0 : i32
        %dma_start3A_224 = arith.constant 0 : i32
        %dma_start3A_225 = arith.constant 0 : i32
        %dma_start3A_226 = tpu.memref_slice %arg6[%rem3A_206, %dma_start3A_223, %dma_start3A_224, %dma_start3A_225] : memref<3x4x25x256xi32, #tpu.memory_space<vmem>> -> memref<1x1x25x256xi32, #tpu.memory_space<vmem>>
        %dma_start3A_227 = tpu.memref_squeeze %dma_start3A_226 : memref<1x1x25x256xi32, #tpu.memory_space<vmem>> -> memref<25x256xi32, #tpu.memory_space<vmem>>
        %dma_start3A_228 = arith.constant 0 : i32
        %dma_start3A_229 = tpu.memref_slice %arg5[%add3A_210, %dma_start3A_228] : memref<128x25xi32, #tpu.memory_space<vmem>> -> memref<1x25xi32, #tpu.memory_space<vmem>>
        %dma_start3A_230 = tpu.memref_squeeze %dma_start3A_229 : memref<1x25xi32, #tpu.memory_space<vmem>> -> memref<25xi32, #tpu.memory_space<vmem>>
        %dma_start3A_231 = arith.constant 0 : i32
        %dma_start3A_232 = arith.constant 0 : i32
        %dma_start3A_233 = tpu.memref_slice %arg2[%dma_start3A_231, %dma_start3A_232] : memref<512x256xi32, #tpu.memory_space<hbm>> -> memref<512x256xi32, #tpu.memory_space<hbm>>
        %dma_start3A_234 = tpu.memref_slice %arg7[%rem3A_206] : memref<3x!tpu.dma_semaphore, #tpu.memory_space<semaphore_mem>> -> memref<1x!tpu.dma_semaphore, #tpu.memory_space<semaphore_mem>>
        %dma_start3A_235 = tpu.memref_squeeze %dma_start3A_234 : memref<1x!tpu.dma_semaphore, #tpu.memory_space<semaphore_mem>> -> memref<!tpu.dma_semaphore, #tpu.memory_space<semaphore_mem>>
        tpu.enqueue_indirect_dma source(%dma_start3A_233 : memref<512x256xi32, #tpu.memory_space<hbm>>) target(%dma_start3A_227 : memref<25x256xi32, #tpu.memory_space<vmem>>) offsets(%dma_start3A_230 : memref<25xi32, #tpu.memory_space<vmem>>) semaphore(%dma_start3A_235 : memref<!tpu.dma_semaphore, #tpu.memory_space<semaphore_mem>>)
        %dma_start3A_236 = arith.constant 1 : i32
        %dma_start3A_237 = arith.constant 0 : i32
        %dma_start3A_238 = arith.constant 0 : i32
        %dma_start3A_239 = tpu.memref_slice %arg6[%rem3A_206, %dma_start3A_236, %dma_start3A_237, %dma_start3A_238] : memref<3x4x25x256xi32, #tpu.memory_space<vmem>> -> memref<1x1x25x256xi32, #tpu.memory_space<vmem>>
        %dma_start3A_240 = tpu.memref_squeeze %dma_start3A_239 : memref<1x1x25x256xi32, #tpu.memory_space<vmem>> -> memref<25x256xi32, #tpu.memory_space<vmem>>
        %dma_start3A_241 = arith.constant 0 : i32
        %dma_start3A_242 = tpu.memref_slice %arg5[%add3A_214, %dma_start3A_241] : memref<128x25xi32, #tpu.memory_space<vmem>> -> memref<1x25xi32, #tpu.memory_space<vmem>>
        %dma_start3A_243 = tpu.memref_squeeze %dma_start3A_242 : memref<1x25xi32, #tpu.memory_space<vmem>> -> memref<25xi32, #tpu.memory_space<vmem>>
        %dma_start3A_244 = arith.constant 0 : i32
        %dma_start3A_245 = arith.constant 0 : i32
        %dma_start3A_246 = tpu.memref_slice %arg2[%dma_start3A_244, %dma_start3A_245] : memref<512x256xi32, #tpu.memory_space<hbm>> -> memref<512x256xi32, #tpu.memory_space<hbm>>
        %dma_start3A_247 = tpu.memref_slice %arg7[%rem3A_206] : memref<3x!tpu.dma_semaphore, #tpu.memory_space<semaphore_mem>> -> memref<1x!tpu.dma_semaphore, #tpu.memory_space<semaphore_mem>>
        %dma_start3A_248 = tpu.memref_squeeze %dma_start3A_247 : memref<1x!tpu.dma_semaphore, #tpu.memory_space<semaphore_mem>> -> memref<!tpu.dma_semaphore, #tpu.memory_space<semaphore_mem>>
        tpu.enqueue_indirect_dma source(%dma_start3A_246 : memref<512x256xi32, #tpu.memory_space<hbm>>) target(%dma_start3A_240 : memref<25x256xi32, #tpu.memory_space<vmem>>) offsets(%dma_start3A_243 : memref<25xi32, #tpu.memory_space<vmem>>) semaphore(%dma_start3A_248 : memref<!tpu.dma_semaphore, #tpu.memory_space<semaphore_mem>>)
        %dma_start3A_249 = arith.constant 2 : i32
        %dma_start3A_250 = arith.constant 0 : i32
        %dma_start3A_251 = arith.constant 0 : i32
        %dma_start3A_252 = tpu.memref_slice %arg6[%rem3A_206, %dma_start3A_249, %dma_start3A_250, %dma_start3A_251] : memref<3x4x25x256xi32, #tpu.memory_space<vmem>> -> memref<1x1x25x256xi32, #tpu.memory_space<vmem>>
        %dma_start3A_253 = tpu.memref_squeeze %dma_start3A_252 : memref<1x1x25x256xi32, #tpu.memory_space<vmem>> -> memref<25x256xi32, #tpu.memory_space<vmem>>
        %dma_start3A_254 = arith.constant 0 : i32
        %dma_start3A_255 = tpu.memref_slice %arg5[%add3A_218, %dma_start3A_254] : memref<128x25xi32, #tpu.memory_space<vmem>> -> memref<1x25xi32, #tpu.memory_space<vmem>>
        %dma_start3A_256 = tpu.memref_squeeze %dma_start3A_255 : memref<1x25xi32, #tpu.memory_space<vmem>> -> memref<25xi32, #tpu.memory_space<vmem>>
        %dma_start3A_257 = arith.constant 0 : i32
        %dma_start3A_258 = arith.constant 0 : i32
        %dma_start3A_259 = tpu.memref_slice %arg2[%dma_start3A_257, %dma_start3A_258] : memref<512x256xi32, #tpu.memory_space<hbm>> -> memref<512x256xi32, #tpu.memory_space<hbm>>
        %dma_start3A_260 = tpu.memref_slice %arg7[%rem3A_206] : memref<3x!tpu.dma_semaphore, #tpu.memory_space<semaphore_mem>> -> memref<1x!tpu.dma_semaphore, #tpu.memory_space<semaphore_mem>>
        %dma_start3A_261 = tpu.memref_squeeze %dma_start3A_260 : memref<1x!tpu.dma_semaphore, #tpu.memory_space<semaphore_mem>> -> memref<!tpu.dma_semaphore, #tpu.memory_space<semaphore_mem>>
        tpu.enqueue_indirect_dma source(%dma_start3A_259 : memref<512x256xi32, #tpu.memory_space<hbm>>) target(%dma_start3A_253 : memref<25x256xi32, #tpu.memory_space<vmem>>) offsets(%dma_start3A_256 : memref<25xi32, #tpu.memory_space<vmem>>) semaphore(%dma_start3A_261 : memref<!tpu.dma_semaphore, #tpu.memory_space<semaphore_mem>>)
        %dma_start3A_262 = arith.constant 3 : i32
        %dma_start3A_263 = arith.constant 0 : i32
        %dma_start3A_264 = arith.constant 0 : i32
        %dma_start3A_265 = tpu.memref_slice %arg6[%rem3A_206, %dma_start3A_262, %dma_start3A_263, %dma_start3A_264] : memref<3x4x25x256xi32, #tpu.memory_space<vmem>> -> memref<1x1x25x256xi32, #tpu.memory_space<vmem>>
        %dma_start3A_266 = tpu.memref_squeeze %dma_start3A_265 : memref<1x1x25x256xi32, #tpu.memory_space<vmem>> -> memref<25x256xi32, #tpu.memory_space<vmem>>
        %dma_start3A_267 = arith.constant 0 : i32
        %dma_start3A_268 = tpu.memref_slice %arg5[%add3A_222, %dma_start3A_267] : memref<128x25xi32, #tpu.memory_space<vmem>> -> memref<1x25xi32, #tpu.memory_space<vmem>>
        %dma_start3A_269 = tpu.memref_squeeze %dma_start3A_268 : memref<1x25xi32, #tpu.memory_space<vmem>> -> memref<25xi32, #tpu.memory_space<vmem>>
        %dma_start3A_270 = arith.constant 0 : i32
        %dma_start3A_271 = arith.constant 0 : i32
        %dma_start3A_272 = tpu.memref_slice %arg2[%dma_start3A_270, %dma_start3A_271] : memref<512x256xi32, #tpu.memory_space<hbm>> -> memref<512x256xi32, #tpu.memory_space<hbm>>
        %dma_start3A_273 = tpu.memref_slice %arg7[%rem3A_206] : memref<3x!tpu.dma_semaphore, #tpu.memory_space<semaphore_mem>> -> memref<1x!tpu.dma_semaphore, #tpu.memory_space<semaphore_mem>>
        %dma_start3A_274 = tpu.memref_squeeze %dma_start3A_273 : memref<1x!tpu.dma_semaphore, #tpu.memory_space<semaphore_mem>> -> memref<!tpu.dma_semaphore, #tpu.memory_space<semaphore_mem>>
        tpu.enqueue_indirect_dma source(%dma_start3A_272 : memref<512x256xi32, #tpu.memory_space<hbm>>) target(%dma_start3A_266 : memref<25x256xi32, #tpu.memory_space<vmem>>) offsets(%dma_start3A_269 : memref<25xi32, #tpu.memory_space<vmem>>) semaphore(%dma_start3A_274 : memref<!tpu.dma_semaphore, #tpu.memory_space<semaphore_mem>>)
      } else {
      }
      %mul3A_200 = arith.constant 4 : i32
      %mul3A_201 = arith.muli %scan3A_124, %mul3A_200 : i32
      %add3A_202 = arith.addi %mul3A_2, %mul3A_201 : i32
      "tpu.region"() ({
        %run_scoped3A = tpu.sem_alloc : memref<!tpu.dma_semaphore, #tpu.memory_space<semaphore_mem>>
        %dma_start3A_203 = arith.constant 0 : i32
        %dma_start3A_204 = arith.constant 0 : i32
        %dma_start3A_205 = arith.constant 0 : i32
        %dma_start3A_206 = tpu.memref_slice %arg6[%rem3A_126, %dma_start3A_203, %dma_start3A_204, %dma_start3A_205] : memref<3x4x25x256xi32, #tpu.memory_space<vmem>> -> memref<1x4x25x256xi32, #tpu.memory_space<vmem>>
        %dma_start3A_207 = tpu.memref_squeeze %dma_start3A_206 : memref<1x4x25x256xi32, #tpu.memory_space<vmem>> -> memref<4x25x256xi32, #tpu.memory_space<vmem>>
        %dma_start3A_208 = tpu.memref_bitcast %arg4 : memref<4096x50x256xf16, #tpu.memory_space<hbm>> -> memref<4096x25x256xi32, #tpu.memory_space<hbm>>
        %dma_start3A_209 = arith.constant 0 : i32
        %dma_start3A_210 = arith.constant 0 : i32
        %dma_start3A_211 = tpu.memref_slice %dma_start3A_208[%add3A_202, %dma_start3A_209, %dma_start3A_210] : memref<4096x25x256xi32, #tpu.memory_space<hbm>> -> memref<4x25x256xi32, #tpu.memory_space<hbm>>
        %dma_start3A_212 = tpu.memref_bitcast %arg4 : memref<4096x50x256xf16, #tpu.memory_space<hbm>> -> memref<4096x25x256xi32, #tpu.memory_space<hbm>>
        %dma_start3A_213 = arith.constant 0 : i32
        %dma_start3A_214 = arith.constant 0 : i32
        %dma_start3A_215 = tpu.memref_slice %dma_start3A_212[%add3A_202, %dma_start3A_213, %dma_start3A_214] : memref<4096x25x256xi32, #tpu.memory_space<hbm>> -> memref<4x25x256xi32, #tpu.memory_space<hbm>>
        %dma_start3A_216 = arith.constant 0 : i32
        %dma_start3A_217 = arith.constant 0 : i32
        %dma_start3A_218 = arith.constant 0 : i32
        %dma_start3A_219 = tpu.memref_slice %arg6[%rem3A_126, %dma_start3A_216, %dma_start3A_217, %dma_start3A_218] : memref<3x4x25x256xi32, #tpu.memory_space<vmem>> -> memref<1x4x25x256xi32, #tpu.memory_space<vmem>>
        %dma_start3A_220 = tpu.memref_squeeze %dma_start3A_219 : memref<1x4x25x256xi32, #tpu.memory_space<vmem>> -> memref<4x25x256xi32, #tpu.memory_space<vmem>>
        tpu.enqueue_dma source(%dma_start3A_220 : memref<4x25x256xi32, #tpu.memory_space<vmem>>) target(%dma_start3A_215 : memref<4x25x256xi32, #tpu.memory_space<hbm>>) target_semaphore(%run_scoped3A : memref<!tpu.dma_semaphore, #tpu.memory_space<semaphore_mem>>)
        %dma_wait3A_221 = arith.constant 0 : i32
        %dma_wait3A_222 = arith.constant 0 : i32
        %dma_wait3A_223 = arith.constant 0 : i32
        %dma_wait3A_224 = tpu.memref_slice %arg6[%rem3A_126, %dma_wait3A_221, %dma_wait3A_222, %dma_wait3A_223] : memref<3x4x25x256xi32, #tpu.memory_space<vmem>> -> memref<1x4x25x256xi32, #tpu.memory_space<vmem>>
        %dma_wait3A_225 = tpu.memref_squeeze %dma_wait3A_224 : memref<1x4x25x256xi32, #tpu.memory_space<vmem>> -> memref<4x25x256xi32, #tpu.memory_space<vmem>>
        %dma_wait3A_226 = tpu.memref_bitcast %arg4 : memref<4096x50x256xf16, #tpu.memory_space<hbm>> -> memref<4096x25x256xi32, #tpu.memory_space<hbm>>
        %dma_wait3A_227 = arith.constant 0 : i32
        %dma_wait3A_228 = arith.constant 0 : i32
        %dma_wait3A_229 = tpu.memref_slice %dma_wait3A_226[%add3A_202, %dma_wait3A_227, %dma_wait3A_228] : memref<4096x25x256xi32, #tpu.memory_space<hbm>> -> memref<4x25x256xi32, #tpu.memory_space<hbm>>
        %dma_wait3A_230 = tpu.memref_bitcast %arg4 : memref<4096x50x256xf16, #tpu.memory_space<hbm>> -> memref<4096x25x256xi32, #tpu.memory_space<hbm>>
        %dma_wait3A_231 = arith.constant 0 : i32
        %dma_wait3A_232 = arith.constant 0 : i32
        %dma_wait3A_233 = tpu.memref_slice %dma_wait3A_230[%add3A_202, %dma_wait3A_231, %dma_wait3A_232] : memref<4096x25x256xi32, #tpu.memory_space<hbm>> -> memref<4x25x256xi32, #tpu.memory_space<hbm>>
        %dma_wait3A_234 = arith.constant 0 : i32
        %dma_wait3A_235 = arith.constant 0 : i32
        %dma_wait3A_236 = arith.constant 0 : i32
        %dma_wait3A_237 = tpu.memref_slice %arg6[%rem3A_126, %dma_wait3A_234, %dma_wait3A_235, %dma_wait3A_236] : memref<3x4x25x256xi32, #tpu.memory_space<vmem>> -> memref<1x4x25x256xi32, #tpu.memory_space<vmem>>
        %dma_wait3A_238 = tpu.memref_squeeze %dma_wait3A_237 : memref<1x4x25x256xi32, #tpu.memory_space<vmem>> -> memref<4x25x256xi32, #tpu.memory_space<vmem>>
        tpu.wait_dma2 semaphore(%run_scoped3A : memref<!tpu.dma_semaphore, #tpu.memory_space<semaphore_mem>>) src(%dma_wait3A_238 : memref<4x25x256xi32, #tpu.memory_space<vmem>>) dst(%dma_wait3A_233 : memref<4x25x256xi32, #tpu.memory_space<hbm>>)
        tpu.yield
      }) : () -> ()
    }
    %scan3A_123 = arith.constant 32 : i32
    return
  }
}

module attributes {stable_mosaic.version = 14 : i64} {
  func.func @_prep_tc_body(%arg0: memref<4096x50xi32, #tpu.memory_space<vmem>>, %arg1: memref<2x256xi32, #tpu.memory_space<vmem>>, %arg2: memref<4096x25xi32, #tpu.memory_space<vmem>>, %arg3: memref<512x256xi32, #tpu.memory_space<vmem>>) attributes {dimension_semantics = [], scalar_prefetch = 0 : i64, scratch_operands = 0 : i64, tpu.core_type = #tpu.core_type<tc>} {
    %get3A = arith.constant 0 : index
    %get3A_0 = arith.constant 0 : index
    %get3A_1 = vector.load %arg0[%get3A, %get3A_0] : memref<4096x50xi32, #tpu.memory_space<vmem>>, vector<4096x50xi32>
    %convert_element_type3A = arith.sitofp %get3A_1 : vector<4096x50xi32> to vector<4096x50xf32>
    %iota3A = tpu.iota {dimensions = array<i32: 0>} : vector<50x25xi32>
    %iota3A_2 = tpu.iota {dimensions = array<i32: 1>} : vector<50x25xi32>
    %mul3A = arith.constant 2 : i32
    %mul3A_3 = vector.broadcast %mul3A : i32 to vector<50x25xi32>
    %mul3A_4 = arith.muli %mul3A_3, %iota3A_2 : vector<50x25xi32>
    %eq3A = arith.cmpi eq, %iota3A, %mul3A_4 : vector<50x25xi32>
    %jit3A = arith.constant 2.000000e+00 : f32
    %jit3A_5 = arith.constant 0.000000e+00 : f32
    %broadcast_in_dim3A = vector.broadcast %jit3A : f32 to vector<50x25xf32>
    %broadcast_in_dim3A_6 = vector.broadcast %jit3A_5 : f32 to vector<50x25xf32>
    %select_n3A = arith.select %eq3A, %broadcast_in_dim3A, %broadcast_in_dim3A_6 : vector<50x25xi1>, vector<50x25xf32>
    %mul3A_7 = arith.constant 2 : i32
    %mul3A_8 = vector.broadcast %mul3A_7 : i32 to vector<50x25xi32>
    %mul3A_9 = arith.muli %mul3A_8, %iota3A_2 : vector<50x25xi32>
    %add3A = arith.constant 1 : i32
    %add3A_10 = vector.broadcast %add3A : i32 to vector<50x25xi32>
    %add3A_11 = arith.addi %mul3A_9, %add3A_10 : vector<50x25xi32>
    %eq3A_12 = arith.cmpi eq, %iota3A, %add3A_11 : vector<50x25xi32>
    %jit3A_13 = arith.constant 1.000000e+00 : f32
    %jit3A_14 = arith.constant 0.000000e+00 : f32
    %broadcast_in_dim3A_15 = vector.broadcast %jit3A_13 : f32 to vector<50x25xf32>
    %broadcast_in_dim3A_16 = vector.broadcast %jit3A_14 : f32 to vector<50x25xf32>
    %select_n3A_17 = arith.select %eq3A_12, %broadcast_in_dim3A_15, %broadcast_in_dim3A_16 : vector<50x25xi1>, vector<50x25xf32>
    %add3A_18 = arith.addf %select_n3A, %select_n3A_17 : vector<50x25xf32>
    %dot_general3A = arith.constant dense<0.000000e+00> : vector<4096x25xf32>
    %dot_general3A_19 = tpu.matmul %convert_element_type3A, %add3A_18, %dot_general3A {dimension_numbers = #tpu.dot_dimension_numbers<[1], [0], [0], [1], [0, 0, 1, 1], [], []>, transpose_lhs_hint = false} : vector<4096x50xf32>, vector<50x25xf32>, vector<4096x25xf32> -> vector<4096x25xf32>
    %convert_element_type3A_20 = arith.fptosi %dot_general3A_19 : vector<4096x25xf32> to vector<4096x25xi32>
    %iota3A_21 = tpu.iota {dimensions = array<i32: 0>} : vector<4096x25xi32>
    %iota3A_22 = tpu.iota {dimensions = array<i32: 1>} : vector<4096x25xi32>
    %mul3A_23 = arith.constant 25 : i32
    %mul3A_24 = vector.broadcast %mul3A_23 : i32 to vector<4096x25xi32>
    %mul3A_25 = arith.muli %iota3A_21, %mul3A_24 : vector<4096x25xi32>
    %add3A_26 = arith.addi %mul3A_25, %iota3A_22 : vector<4096x25xi32>
    %and3A = arith.constant 127 : i32
    %and3A_27 = vector.broadcast %and3A : i32 to vector<4096x25xi32>
    %and3A_28 = arith.andi %add3A_26, %and3A_27 : vector<4096x25xi32>
    %mul3A_29 = arith.constant 4 : i32
    %mul3A_30 = vector.broadcast %mul3A_29 : i32 to vector<4096x25xi32>
    %mul3A_31 = arith.muli %mul3A_30, %and3A_28 : vector<4096x25xi32>
    %add3A_32 = arith.addi %convert_element_type3A_20, %mul3A_31 : vector<4096x25xi32>
    %swap3A = arith.constant 0 : index
    %swap3A_33 = arith.constant 0 : index
    %swap3A_34 = vector.load %arg2[%swap3A, %swap3A_33] : memref<4096x25xi32, #tpu.memory_space<vmem>>, vector<4096x25xi32>
    tpu.vector_store %arg2[%swap3A, %swap3A_33], %add3A_32 {strides = array<i32>} : memref<4096x25xi32, #tpu.memory_space<vmem>>, vector<4096x25xi32>,
    %get3A_35 = arith.constant 0 : index
    %get3A_36 = arith.constant 0 : index
    %get3A_37 = vector.load %arg1[%get3A_35, %get3A_36] : memref<2x256xi32, #tpu.memory_space<vmem>>, vector<2x256xi32>
    %iota3A_38 = tpu.iota {dimensions = array<i32: 0>} : vector<512x256xi32>
    %and3A_39 = arith.constant 2 : i32
    %and3A_40 = vector.broadcast %and3A_39 : i32 to vector<512x256xi32>
    %and3A_41 = arith.andi %iota3A_38, %and3A_40 : vector<512x256xi32>
    %eq3A_42 = arith.constant 0 : i32
    %eq3A_43 = vector.broadcast %eq3A_42 : i32 to vector<512x256xi32>
    %eq3A_44 = arith.cmpi eq, %and3A_41, %eq3A_43 : vector<512x256xi32>
    %slice3A = vector.extract_strided_slice %get3A_37 {offsets = [0, 0], sizes = [1, 256], strides = [1, 1]} : vector<2x256xi32> to vector<1x256xi32>
    %slice3A_45 = vector.extract_strided_slice %get3A_37 {offsets = [1, 0], sizes = [1, 256], strides = [1, 1]} : vector<2x256xi32> to vector<1x256xi32>
    %broadcast_in_dim3A_46 = vector.shape_cast %slice3A : vector<1x256xi32> to vector<1x256xi32>
    %broadcast_in_dim3A_47 = vector.broadcast %broadcast_in_dim3A_46 : vector<1x256xi32> to vector<512x256xi32>
    %broadcast_in_dim3A_48 = vector.shape_cast %slice3A_45 : vector<1x256xi32> to vector<1x256xi32>
    %broadcast_in_dim3A_49 = vector.broadcast %broadcast_in_dim3A_48 : vector<1x256xi32> to vector<512x256xi32>
    %select_n3A_50 = arith.select %eq3A_44, %broadcast_in_dim3A_47, %broadcast_in_dim3A_49 : vector<512x256xi1>, vector<512x256xi32>
    %and3A_51 = arith.constant 1 : i32
    %and3A_52 = vector.broadcast %and3A_51 : i32 to vector<512x256xi32>
    %and3A_53 = arith.andi %iota3A_38, %and3A_52 : vector<512x256xi32>
    %eq3A_54 = arith.constant 0 : i32
    %eq3A_55 = vector.broadcast %eq3A_54 : i32 to vector<512x256xi32>
    %eq3A_56 = arith.cmpi eq, %and3A_53, %eq3A_55 : vector<512x256xi32>
    %slice3A_57 = vector.extract_strided_slice %get3A_37 {offsets = [0, 0], sizes = [1, 256], strides = [1, 1]} : vector<2x256xi32> to vector<1x256xi32>
    %slice3A_58 = vector.extract_strided_slice %get3A_37 {offsets = [1, 0], sizes = [1, 256], strides = [1, 1]} : vector<2x256xi32> to vector<1x256xi32>
    %broadcast_in_dim3A_59 = vector.shape_cast %slice3A_57 : vector<1x256xi32> to vector<1x256xi32>
    %broadcast_in_dim3A_60 = vector.broadcast %broadcast_in_dim3A_59 : vector<1x256xi32> to vector<512x256xi32>
    %broadcast_in_dim3A_61 = vector.shape_cast %slice3A_58 : vector<1x256xi32> to vector<1x256xi32>
    %broadcast_in_dim3A_62 = vector.broadcast %broadcast_in_dim3A_61 : vector<1x256xi32> to vector<512x256xi32>
    %select_n3A_63 = arith.select %eq3A_56, %broadcast_in_dim3A_60, %broadcast_in_dim3A_62 : vector<512x256xi1>, vector<512x256xi32>
    %shift_left3A = arith.constant 16 : i32
    %shift_left3A_64 = vector.broadcast %shift_left3A : i32 to vector<512x256xi32>
    %shift_left3A_65 = arith.shli %select_n3A_63, %shift_left3A_64 : vector<512x256xi32>
    %or3A = arith.ori %select_n3A_50, %shift_left3A_65 : vector<512x256xi32>
    %bitcast_convert_type3A = tpu.bitcast %or3A : vector<512x256xi32> -> vector<512x256xi32>
    %swap3A_66 = arith.constant 0 : index
    %swap3A_67 = arith.constant 0 : index
    %swap3A_68 = vector.load %arg3[%swap3A_66, %swap3A_67] : memref<512x256xi32, #tpu.memory_space<vmem>>, vector<512x256xi32>
    tpu.vector_store %arg3[%swap3A_66, %swap3A_67], %bitcast_convert_type3A {strides = array<i32>} : memref<512x256xi32, #tpu.memory_space<vmem>>, vector<512x256xi32>,
    return
  }
}

</mosaic_0001>

<sc_bundles>
// kernel: kernel.4.cloned.1.call-start
scs
__scs_entry_jumppad:
0x0: {  	(pc) =	sbr.rel $0x88, $3  }
0x1: {  	(tag) =	ssettag $0x0;
	lr =	simm.s32 $0x1  }
0x2: {  	[smem:$0x3F9F] =	sst lr;
	_ =	strace $0xD0000000  }
0x3: {  	_ = 	snop  }
0x4: {  	_ = 	snop  }
0x5: {  	_ = 	snop  }
0x6: {  	_ = 	snop  }
0x7: {  	_ = 	snop  }
__scs_overlays_trampoline_lowered:
0x8: {  	[smem:$0x3FAE] =	sst s0  }
0x9: {  	[smem:$0x3FAF] =	sst s1  }
0xa: {  	[smem:$0x3FB0] =	sst s2  }
0xb: {  	[smem:$0x3FB1] =	sst s3  }
0xc: {  	[smem:$0x3FB2] =	sst s4  }
0xd: {  	[smem:$0x3FB3] =	sst s5  }
0xe: {  	[smem:$0x3FB4] =	sst s6  }
0xf: {  	[smem:$0x3FB5] =	sst s7  }
0x10: {  	[smem:$0x3FB6] =	sst s8  }
0x11: {  	[smem:$0x3FB7] =	sst s9;
	s0 =	simm.s32 @!p0 $0x0  }
0x12: {  	s1 =	sld [smem:$0x3F9D];
	s0 =	simm.s32 @p0 $0x1  }
0x13: {  	[smem:$0x3FB8] =	sst s0;
	s0 =	simm.s32 @!p1 $0x0  }
0x14: {  	s2 =	sld [smem:$0x3F9C];
	s0 =	simm.s32 @p1 $0x1  }
0x15: {  	[smem:$0x3FB9] =	sst s0;
	s0 =	simm.s32 @!p2 $0x0  }
0x16: {  	s3 =	sld [smem:$0x3FDB];
	s0 =	simm.s32 @p2 $0x1  }
0x17: {  	s4 =	simm.s32 $0x1BF5;
	[smem:$0x3FBB] =	sst s0  }
0x18: {  	s0 =	sld [smem:$0x3F9E];
	_ =	swait.ge [sflag:s4], $0x0  }
0x19: {  	s7 =	sld [smem:$0x3F9F]  }
0x1a: {  	s8 =	sadd.s32 $0xFFFFE003, lr  }
0x1b: {  	s9 =	sadd.s32 $0xFFFFFEF7, lr;
	s5 =	simm.s32 $0xFFFFFFFF;
	p2 =	slt.u32 s8, $0xFFFFF086  }
0x1c: {  	p1 =	slt.u32 s9, $0xF7A;
	s5 =	simm.s32 @!p2 $0x0  }
0x1d: {  	s5 =	simm.s32 @p1 $0x1;
	p0 =	seq.s32 s7, s2  }
0x1e: {  	s7 =	smul.u32 @!p0 $0xF7A, s2;
	p2 =	seq.s32 @!p0 s5, $0x0  }
0x1f: {  	s9 =	smul.u32 $0xF7A, s1;
	s8 =	simm.s32 @!p0 $0x1BF5;
	p2 =	por !p2, p0  }
0x20: {  	[sflag:s8] =	ssyncset.s32 @!p0 $0xFFFFF086;
	s6 =	sadd.s32 @!p0 s3, s7;
	s7 =	simm.s32 @!p0 $0x108  }
0x21: {  	s3 =	sadd.s32 s3, s9;
	s6 =	sadd.s32 @!p0 $0x88, s6;
	s7 =	simm.s32 @p2 $0x1082  }
0x22: {  	[simem:s7], [sflag:s8] =	dma.local @!p0 [hbm:s6], $0xF7A  }
0x23: {  	s9 =	sor.u32 $0xD0000000, s2;
	s6 =	simm.s32 $0x108;
	_ =	swait.ge @!p0 [sflag:s8], $0x0  }
0x24: {  	s3 =	sadd.s32 $0x88, s3;
	s6 =	simm.s32 @!p1 $0x1082;
	[sflag:s4] =	ssyncset.s32 $0xFFFFF086  }
0x25: {  	[simem:s6], [sflag:s4] =	dma.local [hbm:s3], $0xF7A  }
0x26: {  	[smem:$0x3F9F] =	sst s1;
	(tag) =	ssettag s2;
	_ =	strace s9  }
0x27: {  	s1 =	sld [smem:$0x3FAF]  }
0x28: {  	s2 =	sld [smem:$0x3FB0]  }
0x29: {  	s4 =	sld [smem:$0x3FB2]  }
0x2a: {  	p0 =	seq.s32 s5, $0x0;
	s5 =	sld [smem:$0x3FB3]  }
0x2b: {  	s6 =	sld [smem:$0x3FB4]  }
0x2c: {  	s7 =	sld [smem:$0x3FB5]  }
0x2d: {  	s3 =	simm.s32 $0x108;
	s8 =	sld [smem:$0x3FB6]  }
0x2e: {  	s3 =	simm.s32 @!p0 $0x1082;
	s9 =	sld [smem:$0x3FB7]  }
0x2f: {  	lr =	sadd.s32 s0, s3;
	s0 =	sld [smem:$0x3FAE]  }
0x30: {  	s3 =	sld [smem:$0x3FB1]  }
0x31: {  	[smem:$0x3FBA] =	sst s10  }
0x32: {  	s10 =	sld [smem:$0x3FB8];
	_ =	sdelay $0x3  }
0x33: {  	p0 =	seq.s32 s10, $0x1;
	s10 =	sld [smem:$0x3FBA];
	_ =	sdelay $0x3  }
0x34: {  	[smem:$0x3FBA] =	sst s10  }
0x35: {  	s10 =	sld [smem:$0x3FB9];
	_ =	sdelay $0x3  }
0x36: {  	p1 =	seq.s32 s10, $0x1;
	s10 =	sld [smem:$0x3FBA];
	_ =	sdelay $0x3  }
0x37: {  	[smem:$0x3FBA] =	sst s10  }
0x38: {  	s10 =	sld [smem:$0x3FBB]  }
0x39: {  	_ = 	snop;
	(pc) =	sbr.ind lr, $3  }
0x3a: {  	_ = 	snop  }
0x3b: {  	_ = 	snop  }
0x3c: {  	p2 =	seq.s32 s10, $0x1;
	s10 =	sld [smem:$0x3FBA]  }
0x3d: {  	_ =	shalt  }
0x3e: {  	_ =	shalt  }
0x3f: {  	_ =	shalt  }
0x40: {  	_ =	shalt  }
0x41: {  	_ =	shalt  }
0x42: {  	_ =	shalt  }
0x43: {  	_ =	shalt  }
0x44: {  	_ =	shalt  }
0x45: {  	_ =	shalt  }
0x46: {  	_ =	shalt  }
0x47: {  	_ =	shalt  }
0x48: {  	_ =	shalt  }
0x49: {  	_ =	shalt  }
0x4a: {  	_ =	shalt  }
0x4b: {  	_ =	shalt  }
0x4c: {  	_ =	shalt  }
0x4d: {  	_ =	shalt  }
0x4e: {  	_ =	shalt  }
0x4f: {  	_ =	shalt  }
0x50: {  	_ =	shalt  }
0x51: {  	_ =	shalt  }
0x52: {  	_ =	shalt  }
0x53: {  	_ =	shalt  }
0x54: {  	_ =	shalt  }
0x55: {  	_ =	shalt  }
0x56: {  	_ =	shalt  }
0x57: {  	_ =	shalt  }
0x58: {  	_ =	shalt  }
0x59: {  	_ =	shalt  }
0x5a: {  	_ =	shalt  }
0x5b: {  	_ =	shalt  }
0x5c: {  	_ =	shalt  }
0x5d: {  	_ =	shalt  }
0x5e: {  	_ =	shalt  }
0x5f: {  	_ =	shalt  }
0x60: {  	_ =	shalt  }
0x61: {  	_ =	shalt  }
0x62: {  	_ =	shalt  }
0x63: {  	_ =	shalt  }
0x64: {  	_ =	shalt  }
0x65: {  	_ =	shalt  }
0x66: {  	_ =	shalt  }
0x67: {  	_ =	shalt  }
0x68: {  	_ =	shalt  }
0x69: {  	_ =	shalt  }
0x6a: {  	_ =	shalt  }
0x6b: {  	_ =	shalt  }
0x6c: {  	_ =	shalt  }
0x6d: {  	_ =	shalt  }
0x6e: {  	_ =	shalt  }
0x6f: {  	_ =	shalt  }
0x70: {  	_ =	shalt  }
0x71: {  	_ =	shalt  }
0x72: {  	_ =	shalt  }
0x73: {  	_ =	shalt  }
0x74: {  	_ =	shalt  }
0x75: {  	_ =	shalt  }
0x76: {  	_ =	shalt  }
0x77: {  	_ =	shalt  }
0x78: {  	_ =	shalt  }
0x79: {  	_ =	shalt  }
0x7a: {  	_ =	shalt  }
0x7b: {  	_ =	shalt  }
0x7c: {  	_ =	shalt  }
0x7d: {  	_ =	shalt  }
0x7e: {  	_ =	shalt  }
0x7f: {  	_ =	shalt  }
0x80: {  	_ =	shalt  }
0x81: {  	_ =	shalt  }
0x82: {  	_ =	shalt  }
0x83: {  	_ =	shalt  }
0x84: {  	_ =	shalt  }
0x85: {  	_ =	shalt  }
0x86: {  	_ =	shalt  }
0x87: {  	_ =	shalt  }
.Lfunc_end0:
.L_simem_size_0:
called_computation_lowered:
.L_overlay_start_0:
0x88: {  	s2 =	sld [smem:$0x3FD9]  }
0x89: {  	s3 =	sld [smem:$0x3FFE];
	_ =	sdelay $0x1  }
0x8a: {  	s1 =	srdreg.scid  }
0x8b: {  	s0 =	sand.u32 $0x1, s1  }
0x8c: {  	s17 =	sshll.u32 s0, $0xA;
	s2 =	sadd.s32 s3, s2  }
0x8d: {  	s2 =	sadd.s32 s2, s17  }
0x8e: {  	[smem:$0x3FC6] =	sst s2  }
0x8f: {  	_ = 	snop  }
0x90: {  	s2 =	sld [smem:$0x3FD0];
	(tm) =	ssettm $0x1  }
0x91: {  	s18 =	sld [smem:$0x3FFB];
	_ =	sdelay $0x3  }
0x92: {  	_ =	strace s18  }
0x93: {  	s3 =	sld [smem:$0x3FFC];
	_ =	sdelay $0x3  }
0x94: {  	_ =	strace s3  }
0x95: {  	s3 =	sld [smem:$0x3FFD];
	_ =	sdelay $0x3  }
0x96: {  	_ =	strace s3  }
0x97: {  	_ =	strace $0x8FFFFFFF  }
0x98: {  	s19 =	sld [smem:$0x3FDB];
	_ =	sdelay $0x1  }
0x99: {  	s4 =	simm.s32 $_scs_section_size  }
0x9a: {  	s5 =	simm.s32 $_size__tile_overlayer_lowered;
	s6 =	simm.s32 $_tile_overlayer_lowered  }
0x9b: {  	s22 =	simm.s32 $0x1BFF;
	s21 =	sshll.u32 s6, $0x1;
	s3 =	sadd.s32 s4, s19  }
0x9c: {  	s7 =	simm.s32 $0x0;
	s20 =	sshll.u32 s5, $0x1;
	s5 =	sadd.s32 s21, s3  }
0x9d: {  	[timem:s7], [sflag:s22] =	dma.local [hbm:s5], s20  }
0x9e: {  	_ =	swait.ge [sflag:s22], s20  }
0x9f: {  	s4 =	ssub.s32 $0x0, s20;
	[sflag:s22] =	ssyncset.done $0x0  }
0xa0: {  	[sflag:s22] =	ssyncadd.s32 s4;
	_ =	sdelay $0x1  }
0xa1: {  	s23 =	simm.s32 $0x1B8B  }
0xa2: {  	_ =	swait.ge [sflag:s23], $0x1  }
0xa3: {  	[sflag:s23] =	ssyncset.done $0x0  }
0xa4: {  	s25 =	simm.s32 $0x1B8E;
	s24 =	sld [smem:$0x3FFE];
	[sflag:s23] =	ssyncadd.s32 $0xFFFFFFFF  }
0xa5: {  	s26 =	simm.s32 $execute0_lowered;
	[smem:$0x3FD2] =	sst s25  }
0xa6: {  	s5 =	sshll.u32 s26, $0x1;
	_ =	strace $0x80000046;
	[dreg:$0x1] =	wrdreg $0xFFFFFFFF  }
0xa7: {  	s28 =	simm.s32 $_size_execute0_lowered;
	s3 =	sadd.s32 s3, s5;
	[dreg:$0x0] =	wrdreg $0x0  }
0xa8: {  	s5 =	sshll.u32 s28, $0x1;
	[dreg:$0x2] =	wrdreg s3  }
0xa9: {  	[dreg:$0x3] =	wrdreg s5  }
0xaa: {  	[dreg:$0x4] =	wrdreg $0xC0  }
0xab: {  	_ =	task [dreg:s7], $0x5FFFF  }
0xac: {  	[dreg:$0x1] =	wrdreg $0xFFFFFFFF  }
0xad: {  	[dreg:$0x0] =	wrdreg $0x60  }
0xae: {  	[dreg:$0x2] =	wrdreg s24  }
0xaf: {  	[dreg:$0x3] =	wrdreg s2  }
0xb0: {  	[dreg:$0x4] =	wrdreg $0x9  }
0xb1: {  	_ =	task.clear_ibuf [dreg:s7], $0x5FFFF;
	_ =	strace $0x90000046  }
0xb2: {  	s29 =	simm.s32 $0x9;
	_ =	strace $0x80000048  }
0xb3: {  	_ =	swait.ge [sflag:s29], $0x1  }
0xb4: {  	[sflag:s29] =	ssyncadd.s32 $0xFFFFFFFF  }
0xb5: {  	_ =	strace $0x90000048  }
0xb6: {  	_ =	sfence  }
0xb7: {  	s30 =	sld [smem:$0x0];
	_ =	sdelay $0x2  }
0xb8: {  	s31 =	sshll.u32 s1, $0xD;
	s1 =	sshrl.u32 s1, $0x2  }
0xb9: {  	s3 =	sand.u32 $0x4000, s31;
	s1 =	sadd.s32 s1, s30  }
0xba: {  	s0 =	sor.u32 s3, s0;
	s1 =	sshll.u32 s1, $0x11  }
0xbb: {  	s0 =	sor.u32 s1, s0  }
0xbc: {  	s0 =	sadd.s32 $0x8F2B, s0  }
0xbd: {  	[sflag:s0] =	ssyncadd.remote.s32 $0x1  }
0xbe: {  	_ =	sfence.sel $0xFFFF  }
0xbf: {  	[dreg:$0x0] =	wrdreg $0xFFFFFFFF;
	(pc) =	sbr.abs _section_cstart, $3  }
0xc0: {  	[dreg:$0x1] =	wrdreg $0xFFFFFFFF  }
0xc1: {  	_ =	task.clear_ibuf [dreg:s7], $0x2FFFF;
	_ =	strace $0x9FFFFFFF  }
0xc2: {  	(tm) =	ssettm $0x7FFFFFFF  }
0xc3: {  	_ =	shalt  }
tec
execute0_lowered:
.L_overlay_start_1:
0x0: {  	(tag) =	ssettag $0x1  }
0x1: {  	s0 =	rddreg [dreg:$0x0]  }
0x2: {  	s1 =	rddreg [dreg:$0x1];
	s2 =	simm.s32 $0x0  }
0x3: {  	s8 =	stileid.u32;
	s5 =	srdreg.scid;
	s28 =	simm.s32 $0xD800  }
0x4: {  	s29 =	simm.s32 $0xE000;
	s30 =	simm.s32 $0xE800;
	s31 =	simm.s32 $0xF000  }
0x5: {  	s9 =	simm.s32 $0x11000;
	s10 =	simm.s32 $0x11800;
	s11 =	simm.s32 $0x12000  }
0x6: {  	s12 =	simm.s32 $0x12800;
	s13 =	simm.s32 $0x13000;
	s14 =	simm.s32 $0x13800  }
0x7: {  	s15 =	simm.s32 $0x200;
	s16 =	simm.s32 $0x400;
	s17 =	simm.s32 $0x0  }
0x8: {  	[smem:$0x7FF] =	sst s2;
	s4 =	smul.u32 $0x38000, s8;
	s3 =	sadd.s32 $0xA00, s0  }
0x9: {  	s5 =	sand.u32 $0x1, s5;
	s8 =	sshll.u32 s8, $0xC;
	_ =	strace $0x80000047  }
0xa: {  	s25 =	ssub.s32 $0x2, s5;
	s6 =	smul.u32 $0x1C000, s5;
	s5 =	sshll.u32 s5, $0xB  }
.Ltmp0:
0xb: {  	s0 =	sadd.s32 s4, s0;
	s7 =	sshrl.u32 s25, $0x1;
	(pc) =	sbr.rel .LBB2_1-.Ltmp0, $4  }
0xc: {  	s26 =	sor.u32 s5, s8;
	s8 =	simm.s32 $0x10800;
	s7 =	ssub.s32 s25, s7  }
0xd: {  	v2 =	vlaneseq.u32;
	vm1 =	vcmask $0x2320;
	vm2 =	vcmask $0x300;
	s0 =	sadd.s32 s6, s0;
	s4 =	sadd.s32 s1, s26;
	s25 =	simm.s32 $0xC800  }
0xe: {  	vm0 =	vmmov $0xffff;
	v0 =	vand.u32 $0x7, v2;
	v1 =	vshrl.u32 v2, $0x3;
	s26 =	simm.s32 $0xD000;
	s1 =	simm.s32 $0x10000;
	s5 =	smax.u32 s7, $0x1  }
0xf: {  	v2 =	vor.u32 $0x8, v2;
	vm1 =	vmor vm2, vm1;
	v1 =	vmul.u32 $0x8, v1;
	s19 =	sadd.s32 $0x4A00, s0;
	s7 =	simm.s32 $0x4;
	s0 =	simm.s32 $0xF800  }
.LBB2_5:
0x10: {  	s17 =	sadd.s32 $0x1, s17  }
0x11: {  	p0 =	sne.s32 s17, s5  }
.Ltmp1:
0x12: {  	_ = 	snop;
	(pc) =	sbr.rel @!p0 .LBB2_6-.Ltmp1, $1  }
0x13: {  	_ =	sdelay $0x3  }
.LBB2_1:
0x14: {  	[tilespmem:s2], [sflag:$0x4] =	stream.linear.gather [hbm4b:s4+s2], $0x4000, $0x38;
	[tilespmem:$0x1C000] =	vst v63  }
0x15: {  	_ =	swait.ge [sflag:s7], $0x4000  }
0x16: {  	[sflag:s7] =	ssyncset.done $0x0  }
0x17: {  	[sflag:s7] =	ssyncadd.s32 $0xFFFFC000  }
0x18: {  	v3 =	vld [tilespmem:$0x0];
	_ =	sdelay $0x4  }
0x19: {  	v4 =	vshll.u32 v3, $0x1  }
0x1a: {  	v3 =	vand.u32 $0x7, v3;
	v4 =	vand.u32 $0xFFFFFFF0, v4  }
0x1b: {  	v3 =	vor.u32 v3, v4  }
0x1c: {  	v4 =	vperm.xlane v3, v0;
	_ =	sdelay $0x1  }
0x1d: {  	v3 =	vperm.xlane v3, v2;
	v4 =	vadd.s32 v1, v4;
	_ =	sdelay $0x1  }
0x1e: {  	v3 =	vadd.s32 v1, v3;
	_ =	sdelay $0x1  }
0x1f: {  	s6 =	simm.s32 $0x4000  }
0x20: {  	[tilespmem:s6], [sflag:$0x1] =	stream.indirect_vreg.gather [hbm4b:s3+s2], $0x80, v4, vm0, $0xb8;
	[tilespmem:$0x1C000] =	vst v63  }
0x21: {  	s21 =	simm.s32 $0x4800  }
0x22: {  	[tilespmem:s21], [sflag:$0x1] =	stream.indirect_vreg.gather [hbm4b:s3+s2], $0x80, v3, vm0, $0xb8;
	[tilespmem:$0x1C000] =	vst v63  }
0x23: {  	v3 =	vld.msk [tilespmem:$0x10], $0x1ff;
	_ =	sdelay $0x4  }
0x24: {  	v49 =	vshll.u32 v3, $0x1  }
0x25: {  	v3 =	vand.u32 $0x7, v3;
	v4 =	vand.u32 $0xFFFFFFF0, v49  }
0x26: {  	v3 =	vor.u32 v3, v4  }
0x27: {  	v4 =	vperm.xlane v3, v0;
	_ =	sdelay $0x1  }
0x28: {  	v3 =	vperm.xlane v3, v2;
	v4 =	vadd.s32 v1, v4;
	_ =	sdelay $0x1  }
0x29: {  	v3 =	vadd.s32 v1, v3;
	_ =	sdelay $0x1  }
0x2a: {  	s22 =	simm.s32 $0x5000  }
0x2b: {  	[tilespmem:s22], [sflag:$0x1] =	stream.indirect_vreg.gather [hbm4b:s3+s2], $0x80, v4, vm0, $0xb8;
	[tilespmem:$0x1C000] =	vst v63  }
0x2c: {  	s23 =	simm.s32 $0x5800  }
0x2d: {  	[tilespmem:s23], [sflag:$0x1] =	stream.indirect_vreg.gather [hbm4b:s3+s2], $0x80, v3, vm1, $0xb8;
	[tilespmem:$0x1C000] =	vst v63  }
0x2e: {  	v3 =	vld [tilespmem:$0x80];
	_ =	sdelay $0x4  }
0x2f: {  	v50 =	vshll.u32 v3, $0x1  }
0x30: {  	v3 =	vand.u32 $0x7, v3;
	v4 =	vand.u32 $0xFFFFFFF0, v50  }
0x31: {  	v3 =	vor.u32 v3, v4  }
0x32: {  	v4 =	vperm.xlane v3, v0;
	_ =	sdelay $0x1  }
0x33: {  	v3 =	vperm.xlane v3, v2;
	v4 =	vadd.s32 v1, v4;
	_ =	sdelay $0x1  }
0x34: {  	v3 =	vadd.s32 v1, v3;
	_ =	sdelay $0x1  }
0x35: {  	s24 =	simm.s32 $0x6000  }
0x36: {  	[tilespmem:s24], [sflag:$0x1] =	stream.indirect_vreg.gather [hbm4b:s3+s2], $0x80, v4, vm0, $0xb8;
	[tilespmem:$0x1C000] =	vst v63  }
0x37: {  	s18 =	simm.s32 $0x6800  }
0x38: {  	[tilespmem:s18], [sflag:$0x1] =	stream.indirect_vreg.gather [hbm4b:s3+s2], $0x80, v3, vm0, $0xb8;
	[tilespmem:$0x1C000] =	vst v63  }
0x39: {  	v3 =	vld.msk [tilespmem:$0x90], $0x1ff;
	_ =	sdelay $0x4  }
0x3a: {  	v51 =	vshll.u32 v3, $0x1  }
0x3b: {  	v3 =	vand.u32 $0x7, v3;
	v4 =	vand.u32 $0xFFFFFFF0, v51  }
0x3c: {  	v3 =	vor.u32 v3, v4  }
0x3d: {  	v4 =	vperm.xlane v3, v0;
	_ =	sdelay $0x1  }
0x3e: {  	v3 =	vperm.xlane v3, v2;
	v4 =	vadd.s32 v1, v4;
	_ =	sdelay $0x1  }
0x3f: {  	v3 =	vadd.s32 v1, v3;
	_ =	sdelay $0x1  }
0x40: {  	s20 =	simm.s32 $0x7000  }
0x41: {  	[tilespmem:s20], [sflag:$0x1] =	stream.indirect_vreg.gather [hbm4b:s3+s2], $0x80, v4, vm0, $0xb8;
	[tilespmem:$0x1C000] =	vst v63  }
0x42: {  	s21 =	simm.s32 $0x7800  }
0x43: {  	[tilespmem:s21], [sflag:$0x1] =	stream.indirect_vreg.gather [hbm4b:s3+s2], $0x80, v3, vm1, $0xb8;
	[tilespmem:$0x1C000] =	vst v63  }
0x44: {  	v3 =	vld [tilespmem:$0x100];
	_ =	sdelay $0x4  }
0x45: {  	v52 =	vshll.u32 v3, $0x1  }
0x46: {  	v3 =	vand.u32 $0x7, v3;
	v4 =	vand.u32 $0xFFFFFFF0, v52  }
0x47: {  	v3 =	vor.u32 v3, v4  }
0x48: {  	v4 =	vperm.xlane v3, v0;
	_ =	sdelay $0x1  }
0x49: {  	v3 =	vperm.xlane v3, v2;
	v4 =	vadd.s32 v1, v4;
	_ =	sdelay $0x1  }
0x4a: {  	v3 =	vadd.s32 v1, v3;
	_ =	sdelay $0x1  }
0x4b: {  	s22 =	simm.s32 $0x8000  }
0x4c: {  	[tilespmem:s22], [sflag:$0x1] =	stream.indirect_vreg.gather [hbm4b:s3+s2], $0x80, v4, vm0, $0xb8;
	[tilespmem:$0x1C000] =	vst v63  }
0x4d: {  	s23 =	simm.s32 $0x8800  }
0x4e: {  	[tilespmem:s23], [sflag:$0x1] =	stream.indirect_vreg.gather [hbm4b:s3+s2], $0x80, v3, vm0, $0xb8;
	[tilespmem:$0x1C000] =	vst v63  }
0x4f: {  	v3 =	vld.msk [tilespmem:$0x110], $0x1ff;
	_ =	sdelay $0x4  }
0x50: {  	v53 =	vshll.u32 v3, $0x1  }
0x51: {  	v3 =	vand.u32 $0x7, v3;
	v4 =	vand.u32 $0xFFFFFFF0, v53  }
0x52: {  	v3 =	vor.u32 v3, v4  }
0x53: {  	v4 =	vperm.xlane v3, v0;
	_ =	sdelay $0x1  }
0x54: {  	v3 =	vperm.xlane v3, v2;
	v4 =	vadd.s32 v1, v4;
	_ =	sdelay $0x1  }
0x55: {  	v3 =	vadd.s32 v1, v3;
	_ =	sdelay $0x1  }
0x56: {  	s24 =	simm.s32 $0x9000  }
0x57: {  	[tilespmem:s24], [sflag:$0x1] =	stream.indirect_vreg.gather [hbm4b:s3+s2], $0x80, v4, vm0, $0xb8;
	[tilespmem:$0x1C000] =	vst v63  }
0x58: {  	s18 =	simm.s32 $0x9800  }
0x59: {  	[tilespmem:s18], [sflag:$0x1] =	stream.indirect_vreg.gather [hbm4b:s3+s2], $0x80, v3, vm1, $0xb8;
	[tilespmem:$0x1C000] =	vst v63  }
0x5a: {  	v3 =	vld [tilespmem:$0x180];
	_ =	sdelay $0x4  }
0x5b: {  	v54 =	vshll.u32 v3, $0x1  }
0x5c: {  	v3 =	vand.u32 $0x7, v3;
	v4 =	vand.u32 $0xFFFFFFF0, v54  }
0x5d: {  	v3 =	vor.u32 v3, v4  }
0x5e: {  	v4 =	vperm.xlane v3, v0;
	_ =	sdelay $0x1  }
0x5f: {  	v3 =	vperm.xlane v3, v2;
	v4 =	vadd.s32 v1, v4;
	_ =	sdelay $0x1  }
0x60: {  	v3 =	vadd.s32 v1, v3;
	_ =	sdelay $0x1  }
0x61: {  	s20 =	simm.s32 $0xA000  }
0x62: {  	[tilespmem:s20], [sflag:$0x1] =	stream.indirect_vreg.gather [hbm4b:s3+s2], $0x80, v4, vm0, $0xb8;
	[tilespmem:$0x1C000] =	vst v63  }
0x63: {  	s21 =	simm.s32 $0xA800  }
0x64: {  	[tilespmem:s21], [sflag:$0x1] =	stream.indirect_vreg.gather [hbm4b:s3+s2], $0x80, v3, vm0, $0xb8;
	[tilespmem:$0x1C000] =	vst v63  }
0x65: {  	v3 =	vld.msk [tilespmem:$0x190], $0x1ff;
	_ =	sdelay $0x4  }
0x66: {  	v55 =	vshll.u32 v3, $0x1  }
0x67: {  	v3 =	vand.u32 $0x7, v3;
	v4 =	vand.u32 $0xFFFFFFF0, v55  }
0x68: {  	v3 =	vor.u32 v3, v4  }
0x69: {  	v4 =	vperm.xlane v3, v0;
	_ =	sdelay $0x1  }
0x6a: {  	v3 =	vperm.xlane v3, v2;
	v4 =	vadd.s32 v1, v4;
	_ =	sdelay $0x1  }
0x6b: {  	v3 =	vadd.s32 v1, v3;
	_ =	sdelay $0x1  }
0x6c: {  	s22 =	simm.s32 $0xB000  }
0x6d: {  	[tilespmem:s22], [sflag:$0x1] =	stream.indirect_vreg.gather [hbm4b:s3+s2], $0x80, v4, vm0, $0xb8;
	[tilespmem:$0x1C000] =	vst v63  }
0x6e: {  	s23 =	simm.s32 $0xB800  }
0x6f: {  	[tilespmem:s23], [sflag:$0x1] =	stream.indirect_vreg.gather [hbm4b:s3+s2], $0x80, v3, vm1, $0xb8;
	[tilespmem:$0x1C000] =	vst v63  }
0x70: {  	v3 =	vld [tilespmem:$0x200];
	_ =	sdelay $0x4  }
0x71: {  	v56 =	vshll.u32 v3, $0x1  }
0x72: {  	v3 =	vand.u32 $0x7, v3;
	v4 =	vand.u32 $0xFFFFFFF0, v56  }
0x73: {  	v3 =	vor.u32 v3, v4  }
0x74: {  	v4 =	vperm.xlane v3, v0;
	_ =	sdelay $0x1  }
0x75: {  	v3 =	vperm.xlane v3, v2;
	v4 =	vadd.s32 v1, v4;
	_ =	sdelay $0x1  }
0x76: {  	v3 =	vadd.s32 v1, v3;
	_ =	sdelay $0x1  }
0x77: {  	s24 =	simm.s32 $0xC000  }
0x78: {  	[tilespmem:s24], [sflag:$0x2] =	stream.indirect_vreg.gather [hbm4b:s3+s2], $0x80, v4, vm0, $0xb8;
	[tilespmem:$0x1C000] =	vst v63  }
0x79: {  	_ = 	snop  }
0x7a: {  	[tilespmem:s25], [sflag:$0x2] =	stream.indirect_vreg.gather [hbm4b:s3+s2], $0x80, v3, vm0, $0xb8;
	[tilespmem:$0x1C000] =	vst v63  }
0x7b: {  	v3 =	vld.msk [tilespmem:$0x210], $0x1ff;
	_ =	sdelay $0x4  }
0x7c: {  	v57 =	vshll.u32 v3, $0x1  }
0x7d: {  	v3 =	vand.u32 $0x7, v3;
	v4 =	vand.u32 $0xFFFFFFF0, v57  }
0x7e: {  	v3 =	vor.u32 v3, v4  }
0x7f: {  	v4 =	vperm.xlane v3, v0;
	_ =	sdelay $0x1  }
0x80: {  	v3 =	vperm.xlane v3, v2;
	v4 =	vadd.s32 v1, v4;
	_ =	sdelay $0x1  }
0x81: {  	v3 =	vadd.s32 v1, v3;
	_ =	sdelay $0x2  }
0x82: {  	[tilespmem:s26], [sflag:$0x2] =	stream.indirect_vreg.gather [hbm4b:s3+s2], $0x80, v4, vm0, $0xb8;
	[tilespmem:$0x1C000] =	vst v63  }
0x83: {  	_ = 	snop  }
0x84: {  	[tilespmem:s28], [sflag:$0x2] =	stream.indirect_vreg.gather [hbm4b:s3+s2], $0x80, v3, vm1, $0xb8;
	[tilespmem:$0x1C000] =	vst v63  }
0x85: {  	v3 =	vld [tilespmem:$0x280];
	_ =	sdelay $0x4  }
0x86: {  	v58 =	vshll.u32 v3, $0x1  }
0x87: {  	v3 =	vand.u32 $0x7, v3;
	v4 =	vand.u32 $0xFFFFFFF0, v58  }
0x88: {  	v3 =	vor.u32 v3, v4  }
0x89: {  	v4 =	vperm.xlane v3, v0;
	_ =	sdelay $0x1  }
0x8a: {  	v3 =	vperm.xlane v3, v2;
	v4 =	vadd.s32 v1, v4;
	_ =	sdelay $0x1  }
0x8b: {  	v3 =	vadd.s32 v1, v3;
	_ =	sdelay $0x2  }
0x8c: {  	[tilespmem:s29], [sflag:$0x2] =	stream.indirect_vreg.gather [hbm4b:s3+s2], $0x80, v4, vm0, $0xb8;
	[tilespmem:$0x1C000] =	vst v63  }
0x8d: {  	_ = 	snop  }
0x8e: {  	[tilespmem:s30], [sflag:$0x2] =	stream.indirect_vreg.gather [hbm4b:s3+s2], $0x80, v3, vm0, $0xb8;
	[tilespmem:$0x1C000] =	vst v63  }
0x8f: {  	v3 =	vld.msk [tilespmem:$0x290], $0x1ff;
	_ =	sdelay $0x4  }
0x90: {  	v59 =	vshll.u32 v3, $0x1  }
0x91: {  	v3 =	vand.u32 $0x7, v3;
	v4 =	vand.u32 $0xFFFFFFF0, v59  }
0x92: {  	v3 =	vor.u32 v3, v4  }
0x93: {  	v4 =	vperm.xlane v3, v0;
	_ =	sdelay $0x1  }
0x94: {  	v3 =	vperm.xlane v3, v2;
	v4 =	vadd.s32 v1, v4;
	_ =	sdelay $0x1  }
0x95: {  	v3 =	vadd.s32 v1, v3;
	_ =	sdelay $0x2  }
0x96: {  	[tilespmem:s31], [sflag:$0x2] =	stream.indirect_vreg.gather [hbm4b:s3+s2], $0x80, v4, vm0, $0xb8;
	[tilespmem:$0x1C000] =	vst v63  }
0x97: {  	_ = 	snop  }
0x98: {  	[tilespmem:s0], [sflag:$0x2] =	stream.indirect_vreg.gather [hbm4b:s3+s2], $0x80, v3, vm1, $0xb8;
	[tilespmem:$0x1C000] =	vst v63  }
0x99: {  	v3 =	vld [tilespmem:$0x300];
	_ =	sdelay $0x4  }
0x9a: {  	v60 =	vshll.u32 v3, $0x1  }
0x9b: {  	v3 =	vand.u32 $0x7, v3;
	v4 =	vand.u32 $0xFFFFFFF0, v60  }
0x9c: {  	v3 =	vor.u32 v3, v4  }
0x9d: {  	v4 =	vperm.xlane v3, v0;
	_ =	sdelay $0x1  }
0x9e: {  	v3 =	vperm.xlane v3, v2;
	v4 =	vadd.s32 v1, v4;
	_ =	sdelay $0x1  }
0x9f: {  	v3 =	vadd.s32 v1, v3;
	_ =	sdelay $0x2  }
0xa0: {  	[tilespmem:s1], [sflag:$0x2] =	stream.indirect_vreg.gather [hbm4b:s3+s2], $0x80, v4, vm0, $0xb8;
	[tilespmem:$0x1C000] =	vst v63  }
0xa1: {  	_ = 	snop  }
0xa2: {  	[tilespmem:s8], [sflag:$0x2] =	stream.indirect_vreg.gather [hbm4b:s3+s2], $0x80, v3, vm0, $0xb8;
	[tilespmem:$0x1C000] =	vst v63  }
0xa3: {  	v3 =	vld.msk [tilespmem:$0x310], $0x1ff;
	_ =	sdelay $0x4  }
0xa4: {  	v61 =	vshll.u32 v3, $0x1  }
0xa5: {  	v3 =	vand.u32 $0x7, v3;
	v4 =	vand.u32 $0xFFFFFFF0, v61  }
0xa6: {  	v3 =	vor.u32 v3, v4  }
0xa7: {  	v4 =	vperm.xlane v3, v0;
	_ =	sdelay $0x1  }
0xa8: {  	v3 =	vperm.xlane v3, v2;
	v4 =	vadd.s32 v1, v4;
	_ =	sdelay $0x1  }
0xa9: {  	v3 =	vadd.s32 v1, v3;
	_ =	sdelay $0x2  }
0xaa: {  	[tilespmem:s9], [sflag:$0x2] =	stream.indirect_vreg.gather [hbm4b:s3+s2], $0x80, v4, vm0, $0xb8;
	[tilespmem:$0x1C000] =	vst v63  }
0xab: {  	_ = 	snop  }
0xac: {  	[tilespmem:s10], [sflag:$0x2] =	stream.indirect_vreg.gather [hbm4b:s3+s2], $0x80, v3, vm1, $0xb8;
	[tilespmem:$0x1C000] =	vst v63  }
0xad: {  	v3 =	vld [tilespmem:$0x380];
	_ =	sdelay $0x4  }
0xae: {  	v62 =	vshll.u32 v3, $0x1  }
0xaf: {  	v3 =	vand.u32 $0x7, v3;
	v4 =	vand.u32 $0xFFFFFFF0, v62  }
0xb0: {  	v3 =	vor.u32 v3, v4  }
0xb1: {  	v4 =	vperm.xlane v3, v0;
	_ =	sdelay $0x1  }
0xb2: {  	v3 =	vperm.xlane v3, v2;
	v4 =	vadd.s32 v1, v4;
	_ =	sdelay $0x1  }
0xb3: {  	v3 =	vadd.s32 v1, v3;
	_ =	sdelay $0x2  }
0xb4: {  	[tilespmem:s11], [sflag:$0x2] =	stream.indirect_vreg.gather [hbm4b:s3+s2], $0x80, v4, vm0, $0xb8;
	[tilespmem:$0x1C000] =	vst v63  }
0xb5: {  	_ = 	snop  }
0xb6: {  	[tilespmem:s12], [sflag:$0x2] =	stream.indirect_vreg.gather [hbm4b:s3+s2], $0x80, v3, vm0, $0xb8;
	[tilespmem:$0x1C000] =	vst v63  }
0xb7: {  	v3 =	vld.msk [tilespmem:$0x390], $0x1ff;
	_ =	sdelay $0x4  }
0xb8: {  	v63 =	vshll.u32 v3, $0x1  }
0xb9: {  	v3 =	vand.u32 $0x7, v3;
	v4 =	vand.u32 $0xFFFFFFF0, v63  }
0xba: {  	v3 =	vor.u32 v3, v4  }
0xbb: {  	v4 =	vperm.xlane v3, v0;
	_ =	sdelay $0x1  }
0xbc: {  	v3 =	vperm.xlane v3, v2;
	v4 =	vadd.s32 v1, v4;
	_ =	sdelay $0x1  }
0xbd: {  	v3 =	vadd.s32 v1, v3  }
.Ltmp2:
0xbe: {  	_ = 	snop;
	(pc) =	sbr.rel .LBB2_2-.Ltmp2, $4  }
0xbf: {  	_ = 	snop  }
0xc0: {  	[tilespmem:s13], [sflag:$0x2] =	stream.indirect_vreg.gather [hbm4b:s3+s2], $0x80, v4, vm0, $0xb8;
	[tilespmem:$0x1C000] =	vst v63  }
0xc1: {  	s6 =	smov.u32 s19;
	s18 =	simm.s32 $0x590;
	s20 =	simm.s32 $0x0  }
0xc2: {  	[tilespmem:s14], [sflag:$0x2] =	stream.indirect_vreg.gather [hbm4b:s3+s2], $0x80, v3, vm1, $0xb8;
	[tilespmem:$0x1C000] =	vst v63  }
.LBB2_4:
0xc3: {  	s21 =	sshll.u32 s21, $0xF  }
0xc4: {  	s22 =	sor.u32 $0x4000, s21  }
0xc5: {  	[hbm4b:s6+s15] =	stream.strided.scatter [tilespmem:s22], [sflag:$0x4], $0x400, s16, s15, $0x38;
	[tilespmem:$0x1C000] =	vst v63  }
0xc6: {  	s23 =	sadd.s32 $0x40, s6;
	s24 =	sor.u32 $0x4400, s21  }
0xc7: {  	[hbm4b:s23+s15] =	stream.strided.scatter [tilespmem:s24], [sflag:$0x4], $0x400, s16, s15, $0x38;
	[tilespmem:$0x1C000] =	vst v63  }
0xc8: {  	s23 =	sor.u32 $0x4800, s21;
	s24 =	sadd.s32 $0x100, s6  }
0xc9: {  	[hbm4b:s24+s15] =	stream.strided.scatter [tilespmem:s23], [sflag:$0x4], $0x400, s16, s15, $0x38;
	[tilespmem:$0x1C000] =	vst v63  }
0xca: {  	s23 =	sor.u32 $0x4C00, s21;
	s24 =	sadd.s32 $0x140, s6  }
0xcb: {  	[hbm4b:s24+s15] =	stream.strided.scatter [tilespmem:s23], [sflag:$0x4], $0x400, s16, s15, $0x38;
	[tilespmem:$0x1C000] =	vst v63  }
0xcc: {  	s23 =	sor.u32 $0x5000, s21;
	s24 =	sadd.s32 $0x200, s6  }
0xcd: {  	[hbm4b:s24+s15] =	stream.strided.scatter [tilespmem:s23], [sflag:$0x4], $0x400, s16, s15, $0x38;
	[tilespmem:$0x1C000] =	vst v63  }
0xce: {  	s23 =	sor.u32 $0x5400, s21;
	s24 =	sadd.s32 $0x240, s6  }
0xcf: {  	[hbm4b:s24+s15] =	stream.strided.scatter [tilespmem:s23], [sflag:$0x4], $0x400, s16, s15, $0x38;
	[tilespmem:$0x1C000] =	vst v63  }
0xd0: {  	s23 =	sor.u32 $0x6000, s21;
	s24 =	sadd.s32 $0x380, s6  }
0xd1: {  	[hbm4b:s24+s15] =	stream.strided.scatter [tilespmem:s23], [sflag:$0x4], $0x400, s16, s15, $0x38;
	[tilespmem:$0x1C000] =	vst v63  }
0xd2: {  	s23 =	sor.u32 $0x6400, s21;
	s24 =	sadd.s32 $0x3C0, s6  }
0xd3: {  	[hbm4b:s24+s15] =	stream.strided.scatter [tilespmem:s23], [sflag:$0x4], $0x400, s16, s15, $0x38;
	[tilespmem:$0x1C000] =	vst v63  }
0xd4: {  	s23 =	sor.u32 $0x6800, s21;
	s24 =	sadd.s32 $0x480, s6  }
0xd5: {  	[hbm4b:s24+s15] =	stream.strided.scatter [tilespmem:s23], [sflag:$0x4], $0x400, s16, s15, $0x38;
	[tilespmem:$0x1C000] =	vst v63  }
0xd6: {  	s23 =	sor.u32 $0x6C00, s21;
	s24 =	sadd.s32 $0x4C0, s6  }
0xd7: {  	[hbm4b:s24+s15] =	stream.strided.scatter [tilespmem:s23], [sflag:$0x4], $0x400, s16, s15, $0x38;
	[tilespmem:$0x1C000] =	vst v63  }
0xd8: {  	s23 =	sor.u32 $0x7000, s21;
	s24 =	sadd.s32 $0x580, s6  }
0xd9: {  	[hbm4b:s24+s15] =	stream.strided.scatter [tilespmem:s23], [sflag:$0x4], $0x400, s16, s15, $0x38;
	[tilespmem:$0x1C000] =	vst v63  }
0xda: {  	s23 =	sor.u32 $0x7400, s21;
	s24 =	sadd.s32 $0x5C0, s6  }
0xdb: {  	[hbm4b:s24+s15] =	stream.strided.scatter [tilespmem:s23], [sflag:$0x4], $0x400, s16, s15, $0x38;
	[tilespmem:$0x1C000] =	vst v63  }
0xdc: {  	s23 =	sadd.s32 $0x8000, s21;
	s24 =	sadd.s32 $0x700, s6  }
0xdd: {  	[hbm4b:s24+s15] =	stream.strided.scatter [tilespmem:s23], [sflag:$0x4], $0x400, s16, s15, $0x38;
	[tilespmem:$0x1C000] =	vst v63  }
0xde: {  	s23 =	sadd.s32 $0x8400, s21;
	s24 =	sadd.s32 $0x740, s6  }
0xdf: {  	[hbm4b:s24+s15] =	stream.strided.scatter [tilespmem:s23], [sflag:$0x4], $0x400, s16, s15, $0x38;
	[tilespmem:$0x1C000] =	vst v63  }
0xe0: {  	s23 =	sadd.s32 $0x8800, s21;
	s24 =	sadd.s32 $0x800, s6  }
0xe1: {  	[hbm4b:s24+s15] =	stream.strided.scatter [tilespmem:s23], [sflag:$0x4], $0x400, s16, s15, $0x38;
	[tilespmem:$0x1C000] =	vst v63  }
0xe2: {  	s23 =	sadd.s32 $0x8C00, s21;
	s24 =	sadd.s32 $0x840, s6  }
0xe3: {  	[hbm4b:s24+s15] =	stream.strided.scatter [tilespmem:s23], [sflag:$0x4], $0x400, s16, s15, $0x38;
	[tilespmem:$0x1C000] =	vst v63  }
0xe4: {  	s23 =	sadd.s32 $0x9000, s21;
	s24 =	sadd.s32 $0x900, s6  }
0xe5: {  	[hbm4b:s24+s15] =	stream.strided.scatter [tilespmem:s23], [sflag:$0x4], $0x400, s16, s15, $0x38;
	[tilespmem:$0x1C000] =	vst v63  }
0xe6: {  	s23 =	sadd.s32 $0x9400, s21;
	s24 =	sadd.s32 $0x940, s6  }
0xe7: {  	[hbm4b:s24+s15] =	stream.strided.scatter [tilespmem:s23], [sflag:$0x4], $0x400, s16, s15, $0x38;
	[tilespmem:$0x1C000] =	vst v63  }
0xe8: {  	s23 =	sadd.s32 $0xA000, s21;
	s24 =	sadd.s32 $0xA80, s6  }
0xe9: {  	[hbm4b:s24+s15] =	stream.strided.scatter [tilespmem:s23], [sflag:$0x4], $0x400, s16, s15, $0x38;
	[tilespmem:$0x1C000] =	vst v63  }
0xea: {  	s23 =	sadd.s32 $0xA400, s21;
	s24 =	sadd.s32 $0xAC0, s6  }
0xeb: {  	[hbm4b:s24+s15] =	stream.strided.scatter [tilespmem:s23], [sflag:$0x4], $0x400, s16, s15, $0x38;
	[tilespmem:$0x1C000] =	vst v63  }
0xec: {  	s23 =	sadd.s32 $0xA800, s21;
	s24 =	sadd.s32 $0xB80, s6  }
0xed: {  	[hbm4b:s24+s15] =	stream.strided.scatter [tilespmem:s23], [sflag:$0x4], $0x400, s16, s15, $0x38;
	[tilespmem:$0x1C000] =	vst v63  }
0xee: {  	s23 =	sadd.s32 $0xAC00, s21;
	s24 =	sadd.s32 $0xBC0, s6  }
0xef: {  	[hbm4b:s24+s15] =	stream.strided.scatter [tilespmem:s23], [sflag:$0x4], $0x400, s16, s15, $0x38;
	[tilespmem:$0x1C000] =	vst v63  }
0xf0: {  	s23 =	sadd.s32 $0xB000, s21;
	s24 =	sadd.s32 $0xC80, s6  }
0xf1: {  	[hbm4b:s24+s15] =	stream.strided.scatter [tilespmem:s23], [sflag:$0x4], $0x400, s16, s15, $0x38;
	[tilespmem:$0x1C000] =	vst v63  }
0xf2: {  	s23 =	sadd.s32 $0xB400, s21;
	s24 =	sadd.s32 $0xCC0, s6  }
0xf3: {  	[hbm4b:s24+s15] =	stream.strided.scatter [tilespmem:s23], [sflag:$0x4], $0x400, s16, s15, $0x38;
	[tilespmem:$0x1C000] =	vst v63  }
0xf4: {  	s23 =	sor.u32 $0x5800, s21;
	s24 =	sadd.s32 $0x300, s6  }
0xf5: {  	[hbm4b:s24+s2] =	stream.linear.scatter [tilespmem:s23], [sflag:$0x4], $0x200, $0x38;
	[tilespmem:$0x1C000] =	vst v63  }
0xf6: {  	s23 =	sor.u32 $0x5C00, s21;
	s24 =	sadd.s32 $0x340, s6  }
0xf7: {  	[hbm4b:s24+s2] =	stream.linear.scatter [tilespmem:s23], [sflag:$0x4], $0x200, $0x38;
	[tilespmem:$0x1C000] =	vst v63  }
0xf8: {  	s23 =	sor.u32 $0x7800, s21;
	s24 =	sadd.s32 $0x680, s6  }
0xf9: {  	[hbm4b:s24+s2] =	stream.linear.scatter [tilespmem:s23], [sflag:$0x4], $0x200, $0x38;
	[tilespmem:$0x1C000] =	vst v63  }
0xfa: {  	s23 =	sor.u32 $0x7C00, s21;
	s24 =	sadd.s32 $0x6C0, s6  }
0xfb: {  	[hbm4b:s24+s2] =	stream.linear.scatter [tilespmem:s23], [sflag:$0x4], $0x200, $0x38;
	[tilespmem:$0x1C000] =	vst v63  }
0xfc: {  	s23 =	sadd.s32 $0x9800, s21;
	s24 =	sadd.s32 $0xA00, s6  }
0xfd: {  	[hbm4b:s24+s2] =	stream.linear.scatter [tilespmem:s23], [sflag:$0x4], $0x200, $0x38;
	[tilespmem:$0x1C000] =	vst v63  }
0xfe: {  	s20 =	sadd.s32 $0x1, s20;
	s23 =	sadd.s32 $0x9C00, s21;
	s24 =	sadd.s32 $0xA40, s6  }
0xff: {  	[hbm4b:s24+s2] =	stream.linear.scatter [tilespmem:s23], [sflag:$0x4], $0x200, $0x38;
	[tilespmem:$0x1C000] =	vst v63  }
0x100: {  	p0 =	sne.s32 s20, $0x20;
	s23 =	sadd.s32 $0xB800, s21;
	s24 =	sadd.s32 $0xD80, s6  }
0x101: {  	[hbm4b:s24+s2] =	stream.linear.scatter [tilespmem:s23], [sflag:$0x4], $0x200, $0x38;
	[tilespmem:$0x1C000] =	vst v63  }
.Ltmp3:
0x102: {  	s21 =	sadd.s32 $0xBC00, s21;
	s24 =	sadd.s32 $0xDC0, s6;
	(pc) =	sbr.rel @!p0 .LBB2_5-.Ltmp3, $4  }
0x103: {  	[hbm4b:s24+s2] =	stream.linear.scatter [tilespmem:s21], [sflag:$0x4], $0x200, $0x38;
	[tilespmem:$0x1C000] =	vst v63  }
0x104: {  	_ =	swait.ge [sflag:s7], $0x7000  }
0x105: {  	[sflag:s7] =	ssyncset.done $0x0  }
0x106: {  	s18 =	sadd.s32 $0x200, s18;
	s6 =	sadd.s32 $0xE00, s6;
	[sflag:s7] =	ssyncadd.s32 $0xFFFF9000  }
.LBB2_2:
0x107: {  	s21 =	smul.u32 $0xAB, s20;
	_ =	sdelay $0x1  }
0x108: {  	s21 =	sshrl.u32 s21, $0x9  }
0x109: {  	s21 =	sand.u32 $0x7F, s21  }
0x10a: {  	s21 =	smul.u32 $0x3, s21;
	_ =	sdelay $0x1  }
0x10b: {  	s21 =	ssub.s32 s20, s21  }
0x10c: {  	s21 =	sand.u32 $0xFF, s21  }
0x10d: {  	s22 =	sadd.s32 $0x1, s21  }
0x10e: {  	_ =	swait.ge [sflag:s22], $0x1900  }
0x10f: {  	[sflag:s22] =	ssyncset.done $0x0  }
0x110: {  	[sflag:s22] =	ssyncadd.s32 $0xFFFFE700  }
0x111: {  	_ =	swait.ge [sflag:s22], $0x1900  }
0x112: {  	[sflag:s22] =	ssyncset.done $0x0  }
0x113: {  	[sflag:s22] =	ssyncadd.s32 $0xFFFFE700  }
0x114: {  	p0 =	sgt.u32 s20, $0x1D;
	_ =	swait.ge [sflag:s22], $0x1900  }
.Ltmp4:
0x115: {  	[sflag:s22] =	ssyncset.done $0x0;
	(pc) =	sbr.rel @p0 .LBB2_4-.Ltmp4, $4  }
0x116: {  	[sflag:s22] =	ssyncadd.s32 $0xFFFFE700  }
0x117: {  	_ =	swait.ge [sflag:s22], $0x1900  }
0x118: {  	[sflag:s22] =	ssyncset.done $0x0  }
0x119: {  	[sflag:s22] =	ssyncadd.s32 $0xFFFFE700  }
0x11a: {  	v3 =	vld [tilespmem:s18+$0xFFFFFE70];
	_ =	sdelay $0x3  }
0x11b: {  	s22 =	sadd.s32 $0x2, s20  }
0x11c: {  	s23 =	smul.u32 $0xAB, s22;
	v4 =	vshll.u32 v3, $0x1  }
0x11d: {  	v3 =	vand.u32 $0x7, v3;
	v4 =	vand.u32 $0xFFFFFFF0, v4  }
0x11e: {  	s23 =	sshrl.u32 s23, $0x9;
	v3 =	vor.u32 v3, v4  }
0x11f: {  	s23 =	sand.u32 $0x7F, s23;
	v4 =	vperm.xlane v3, v0  }
0x120: {  	s23 =	smul.u32 $0x3, s23  }
0x121: {  	v3 =	vperm.xlane v3, v2;
	v4 =	vadd.s32 v1, v4  }
0x122: {  	s22 =	ssub.s32 s22, s23  }
0x123: {  	s23 =	sand.u32 $0xFF, s22;
	v3 =	vadd.s32 v1, v3  }
0x124: {  	s22 =	sshll.u32 s23, $0xF  }
0x125: {  	s23 =	sadd.s32 $0x1, s23;
	s24 =	sor.u32 $0x4000, s22  }
0x126: {  	[tilespmem:s24], [sflag:s23] =	stream.indirect_vreg.gather [hbm4b:s3+s2], $0x80, v4, vm0, $0xb8;
	[tilespmem:$0x1C000] =	vst v63  }
0x127: {  	s24 =	sor.u32 $0x4800, s22  }
0x128: {  	[tilespmem:s24], [sflag:s23] =	stream.indirect_vreg.gather [hbm4b:s3+s2], $0x80, v3, vm0, $0xb8;
	[tilespmem:$0x1C000] =	vst v63  }
0x129: {  	v3 =	vld.msk [tilespmem:s18+$0xFFFFFE80], $0x1ff;
	_ =	sdelay $0x4  }
0x12a: {  	v57 =	vshll.u32 v3, $0x1  }
0x12b: {  	v3 =	vand.u32 $0x7, v3;
	v4 =	vand.u32 $0xFFFFFFF0, v57  }
0x12c: {  	v3 =	vor.u32 v3, v4  }
0x12d: {  	v4 =	vperm.xlane v3, v0;
	_ =	sdelay $0x1  }
0x12e: {  	v3 =	vperm.xlane v3, v2;
	v4 =	vadd.s32 v1, v4;
	_ =	sdelay $0x1  }
0x12f: {  	v3 =	vadd.s32 v1, v3;
	_ =	sdelay $0x1  }
0x130: {  	s24 =	sor.u32 $0x5000, s22  }
0x131: {  	[tilespmem:s24], [sflag:s23] =	stream.indirect_vreg.gather [hbm4b:s3+s2], $0x80, v4, vm0, $0xb8;
	[tilespmem:$0x1C000] =	vst v63  }
0x132: {  	s24 =	sor.u32 $0x5800, s22  }
0x133: {  	[tilespmem:s24], [sflag:s23] =	stream.indirect_vreg.gather [hbm4b:s3+s2], $0x80, v3, vm1, $0xb8;
	[tilespmem:$0x1C000] =	vst v63  }
0x134: {  	v3 =	vld [tilespmem:s18+$0xFFFFFEF0];
	_ =	sdelay $0x4  }
0x135: {  	v58 =	vshll.u32 v3, $0x1  }
0x136: {  	v3 =	vand.u32 $0x7, v3;
	v4 =	vand.u32 $0xFFFFFFF0, v58  }
0x137: {  	v3 =	vor.u32 v3, v4  }
0x138: {  	v4 =	vperm.xlane v3, v0;
	_ =	sdelay $0x1  }
0x139: {  	v3 =	vperm.xlane v3, v2;
	v4 =	vadd.s32 v1, v4;
	_ =	sdelay $0x1  }
0x13a: {  	v3 =	vadd.s32 v1, v3;
	_ =	sdelay $0x1  }
0x13b: {  	s24 =	sor.u32 $0x6000, s22  }
0x13c: {  	[tilespmem:s24], [sflag:s23] =	stream.indirect_vreg.gather [hbm4b:s3+s2], $0x80, v4, vm0, $0xb8;
	[tilespmem:$0x1C000] =	vst v63  }
0x13d: {  	s24 =	sor.u32 $0x6800, s22  }
0x13e: {  	[tilespmem:s24], [sflag:s23] =	stream.indirect_vreg.gather [hbm4b:s3+s2], $0x80, v3, vm0, $0xb8;
	[tilespmem:$0x1C000] =	vst v63  }
0x13f: {  	v3 =	vld.msk [tilespmem:s18+$0xFFFFFF00], $0x1ff;
	_ =	sdelay $0x4  }
0x140: {  	v59 =	vshll.u32 v3, $0x1  }
0x141: {  	v3 =	vand.u32 $0x7, v3;
	v4 =	vand.u32 $0xFFFFFFF0, v59  }
0x142: {  	v3 =	vor.u32 v3, v4  }
0x143: {  	v4 =	vperm.xlane v3, v0;
	_ =	sdelay $0x1  }
0x144: {  	v3 =	vperm.xlane v3, v2;
	v4 =	vadd.s32 v1, v4;
	_ =	sdelay $0x1  }
0x145: {  	v3 =	vadd.s32 v1, v3;
	_ =	sdelay $0x1  }
0x146: {  	s24 =	sor.u32 $0x7000, s22  }
0x147: {  	[tilespmem:s24], [sflag:s23] =	stream.indirect_vreg.gather [hbm4b:s3+s2], $0x80, v4, vm0, $0xb8;
	[tilespmem:$0x1C000] =	vst v63  }
0x148: {  	s24 =	sor.u32 $0x7800, s22  }
0x149: {  	[tilespmem:s24], [sflag:s23] =	stream.indirect_vreg.gather [hbm4b:s3+s2], $0x80, v3, vm1, $0xb8;
	[tilespmem:$0x1C000] =	vst v63  }
0x14a: {  	v3 =	vld [tilespmem:s18+$0xFFFFFF70];
	_ =	sdelay $0x4  }
0x14b: {  	v60 =	vshll.u32 v3, $0x1  }
0x14c: {  	v3 =	vand.u32 $0x7, v3;
	v4 =	vand.u32 $0xFFFFFFF0, v60  }
0x14d: {  	v3 =	vor.u32 v3, v4  }
0x14e: {  	v4 =	vperm.xlane v3, v0;
	_ =	sdelay $0x1  }
0x14f: {  	v3 =	vperm.xlane v3, v2;
	v4 =	vadd.s32 v1, v4;
	_ =	sdelay $0x1  }
0x150: {  	v3 =	vadd.s32 v1, v3;
	_ =	sdelay $0x1  }
0x151: {  	s24 =	sadd.s32 $0x8000, s22  }
0x152: {  	[tilespmem:s24], [sflag:s23] =	stream.indirect_vreg.gather [hbm4b:s3+s2], $0x80, v4, vm0, $0xb8;
	[tilespmem:$0x1C000] =	vst v63  }
0x153: {  	s24 =	sadd.s32 $0x8800, s22  }
0x154: {  	[tilespmem:s24], [sflag:s23] =	stream.indirect_vreg.gather [hbm4b:s3+s2], $0x80, v3, vm0, $0xb8;
	[tilespmem:$0x1C000] =	vst v63  }
0x155: {  	v3 =	vld.msk [tilespmem:s18+$0xFFFFFF80], $0x1ff;
	_ =	sdelay $0x4  }
0x156: {  	v61 =	vshll.u32 v3, $0x1  }
0x157: {  	v3 =	vand.u32 $0x7, v3;
	v4 =	vand.u32 $0xFFFFFFF0, v61  }
0x158: {  	v3 =	vor.u32 v3, v4  }
0x159: {  	v4 =	vperm.xlane v3, v0;
	_ =	sdelay $0x1  }
0x15a: {  	v3 =	vperm.xlane v3, v2;
	v4 =	vadd.s32 v1, v4;
	_ =	sdelay $0x1  }
0x15b: {  	v3 =	vadd.s32 v1, v3;
	_ =	sdelay $0x1  }
0x15c: {  	s24 =	sadd.s32 $0x9000, s22  }
0x15d: {  	[tilespmem:s24], [sflag:s23] =	stream.indirect_vreg.gather [hbm4b:s3+s2], $0x80, v4, vm0, $0xb8;
	[tilespmem:$0x1C000] =	vst v63  }
0x15e: {  	s24 =	sadd.s32 $0x9800, s22  }
0x15f: {  	[tilespmem:s24], [sflag:s23] =	stream.indirect_vreg.gather [hbm4b:s3+s2], $0x80, v3, vm1, $0xb8;
	[tilespmem:$0x1C000] =	vst v63  }
0x160: {  	v3 =	vld [tilespmem:s18+$0xFFFFFFF0];
	_ =	sdelay $0x4  }
0x161: {  	v62 =	vshll.u32 v3, $0x1  }
0x162: {  	v3 =	vand.u32 $0x7, v3;
	v4 =	vand.u32 $0xFFFFFFF0, v62  }
0x163: {  	v3 =	vor.u32 v3, v4  }
0x164: {  	v4 =	vperm.xlane v3, v0;
	_ =	sdelay $0x1  }
0x165: {  	v3 =	vperm.xlane v3, v2;
	v4 =	vadd.s32 v1, v4;
	_ =	sdelay $0x1  }
0x166: {  	v3 =	vadd.s32 v1, v3;
	_ =	sdelay $0x1  }
0x167: {  	s24 =	sadd.s32 $0xA000, s22  }
0x168: {  	[tilespmem:s24], [sflag:s23] =	stream.indirect_vreg.gather [hbm4b:s3+s2], $0x80, v4, vm0, $0xb8;
	[tilespmem:$0x1C000] =	vst v63  }
0x169: {  	s24 =	sadd.s32 $0xA800, s22  }
0x16a: {  	[tilespmem:s24], [sflag:s23] =	stream.indirect_vreg.gather [hbm4b:s3+s2], $0x80, v3, vm0, $0xb8;
	[tilespmem:$0x1C000] =	vst v63  }
0x16b: {  	v3 =	vld.msk [tilespmem:s18+$0x0], $0x1ff;
	_ =	sdelay $0x4  }
0x16c: {  	v63 =	vshll.u32 v3, $0x1  }
0x16d: {  	v3 =	vand.u32 $0x7, v3;
	v4 =	vand.u32 $0xFFFFFFF0, v63  }
0x16e: {  	v3 =	vor.u32 v3, v4  }
0x16f: {  	v4 =	vperm.xlane v3, v0;
	_ =	sdelay $0x1  }
0x170: {  	v3 =	vperm.xlane v3, v2;
	v4 =	vadd.s32 v1, v4;
	_ =	sdelay $0x1  }
0x171: {  	v3 =	vadd.s32 v1, v3  }
.Ltmp5:
0x172: {  	_ = 	snop;
	(pc) =	sbr.rel .LBB2_4-.Ltmp5, $4  }
0x173: {  	s24 =	sadd.s32 $0xB000, s22  }
0x174: {  	[tilespmem:s24], [sflag:s23] =	stream.indirect_vreg.gather [hbm4b:s3+s2], $0x80, v4, vm0, $0xb8;
	[tilespmem:$0x1C000] =	vst v63  }
0x175: {  	s22 =	sadd.s32 $0xB800, s22  }
0x176: {  	[tilespmem:s22], [sflag:s23] =	stream.indirect_vreg.gather [hbm4b:s3+s2], $0x80, v3, vm1, $0xb8;
	[tilespmem:$0x1C000] =	vst v63  }
.LBB2_6:
0x177: {  	_ =	sfence.sel $0x180000  }
0x178: {  	[bflag:$0x0] =	sbarrier.arrive $0xFFFF  }
0x179: {  	_ =	strace $0x90000047  }
0x17a: {  	s0 =	stileid.u32;
	[bflag:$0x2] =	sbarrier.arrive $0xFFFF  }
0x17b: {  	p0 =	sne.s32 s0, $0x0;
	s0 =	rddreg [dreg:$0x2]  }
0x17c: {  	s0 =	sadd.s32 @!p0 $0x100000, s0  }
0x17d: {  	[sflag:s0] =	ssyncadd.tile.s32 @!p0 $0x1;
	_ =	shalt  }
.Lfunc_end2:
_tile_overlayer_lowered:
.L_overlay_start_2:
0x17e: {  	(tag) =	ssettag $0x2  }
0x17f: {  	s0 =	rddreg [dreg:$0x0];
	s2 =	stileid.u32  }
0x180: {  	s1 =	rddreg [dreg:$0x1];
	p0 =	sne.s32 s2, $0x0  }
0x181: {  	s3 =	rddreg [dreg:$0x2];
	[bflag:$0x3] =	sbarrier.arrive $0xFFFF;
	s2 =	simm.s32 @!p0 $0x1C04  }
0x182: {  	[timem:s3], [sflag:s2] =	dma.local @!p0 [hbm:s0], s1  }
0x183: {  	s0 =	simm.s32 @!p0 $0x4  }
0x184: {  	_ =	swait.ge @!p0 [sflag:s0], s1  }
0x185: {  	s1 =	ssub.s32 @!p0 $0x0, s1;
	[sflag:s0] =	ssyncset.done @!p0 $0x0  }
0x186: {  	[sflag:s0] =	ssyncadd.s32 @!p0 s1  }
0x187: {  	[bflag:$0x3] =	sbarrier.arrive $0xFFFF  }
0x188: {  	_ =	shalt  }

</sc_bundles>
